<compile_context>
chip_gen: v7x
topology: tpu7x:2x2x1
jax: 0.10.2.dev20260603
libtpu: 0.0.44.dev20260713+nightly
codegen_flags: <defaults>
</compile_context>

<pallas_src>
import jax
import jax.numpy as jnp
from jax import lax
from jax.experimental import pallas as pl
from jax.experimental.pallas import tpu as pltpu, tpu_sc as plsc

NUM_USER = 25000
NUM_ITEM = 25000
N_NODES = NUM_USER + NUM_ITEM
EMBED_DIM = 64
N_EDGES = 800000
N_LAYERS = 4

NC, NS = 2, 16
HALF = N_NODES // NC
ACC_ROWS = HALF + 8

NV = 64
RT_E = 12512
E_PAD = NV * RT_E
CHUNK = 128
REGION = 12544
R_CHUNKS = REGION // CHUNK
RBUF = REGION + 16
TRASH = REGION
BLK_CHUNKS = 14
BLK_PAIRS = BLK_CHUNKS // 2
BLK_E = BLK_CHUNKS * CHUNK

OUT_ROWS = N_NODES + 16
COPY_ROWS = 200
N_COPY = HALF // COPY_ROWS


def _route_body(src_hbm, dst_hbm, val_hbm,
                src_c, dloc_c, val_c, counts,
                inb_s, inb_d, inb_v, osrc, odloc, oval, cntv):
    core = lax.axis_index("c")
    tile = lax.axis_index("s")
    wid = core * NS + tile

    for p in range(NV // (NC * NS)):
        vt = wid + NC * NS * p
        in_base = vt * RT_E
        pltpu.sync_copy(src_hbm.at[pl.ds(in_base, RT_E)], inb_s)
        pltpu.sync_copy(dst_hbm.at[pl.ds(in_base, RT_E)], inb_d)
        pltpu.sync_copy(val_hbm.at[pl.ds(in_base, RT_E)], inb_v)

        zi = jnp.zeros((16,), jnp.int32)
        zf = jnp.zeros((16,), jnp.float32)

        def zero16(k, carry):
            sl = pl.ds(k * 16, 16)
            for h in range(NC):
                osrc[h][sl] = zi
                odloc[h][sl] = zi
                oval[h][sl] = zf
            return carry

        lax.fori_loop(0, RBUF // 16, zero16, 0)

        def group_body(g, ptrs):
            sl = pl.ds(g * 16, 16)
            s16 = inb_s[sl]
            d16 = inb_d[sl]
            v16 = inb_v[sl]
            lanes = lax.iota(jnp.int32, 16)
            new_ptrs = []
            for h in range(NC):
                dl16 = d16 - h * HALF
                m = (dl16 >= 0) & (dl16 < HALF)
                mi = jnp.where(m, jnp.ones((16,), jnp.int32),
                               jnp.zeros((16,), jnp.int32))
                v = mi
                for k in (1, 2, 4, 8):
                    idx = jnp.maximum(lanes - k, 0)
                    sh = v.at[idx].get(mode="promise_in_bounds")
                    v = v + jnp.where(lanes >= k, sh,
                                      jnp.zeros((16,), jnp.int32))
                cnt = v[15]
                ptr = ptrs[h]
                pos = jnp.where(m, ptr + (v - mi), TRASH)
                plsc.store_scatter(osrc[h], [pos], s16)
                plsc.store_scatter(odloc[h], [pos], dl16)
                plsc.store_scatter(oval[h], [pos], v16)
                new_ptrs.append(ptr + cnt)
            return tuple(new_ptrs)

        ptrs = lax.fori_loop(0, RT_E // 16, group_body,
                             (jnp.int32(0), jnp.int32(0)))

        for h in range(NC):
            region_off = (h * NV + vt) * REGION
            pltpu.sync_copy(osrc[h].at[pl.ds(0, REGION)],
                            src_c.at[pl.ds(region_off, REGION)])
            pltpu.sync_copy(odloc[h].at[pl.ds(0, REGION)],
                            dloc_c.at[pl.ds(region_off, REGION)])
            pltpu.sync_copy(oval[h].at[pl.ds(0, REGION)],
                            val_c.at[pl.ds(region_off, REGION)])
            cntv[pl.ds(0, 16)] = jnp.zeros((16,), jnp.int32) + ptrs[h]
            pltpu.sync_copy(cntv, counts.at[pl.ds((h * NV + vt) * 16, 16)])


def _layer_body(embeds_hbm, src_c, dloc2d, val_c, counts, zeros_hbm, out_hbm,
                acc, srcb, dlocb, valb, rows0, rows1, cntb, g0, g1, s0, s1, ib):
    core = lax.axis_index("c")
    tile = lax.axis_index("s")
    out_base = core * HALF

    for k in range(8):
        cidx = tile + NS * k
        @pl.when(cidx < N_COPY)
        def _():
            pltpu.sync_copy(zeros_hbm.at[pl.ds(cidx * COPY_ROWS, COPY_ROWS)],
                            acc.at[pl.ds(cidx * COPY_ROWS, COPY_ROWS)])
    plsc.subcore_barrier()

    dummy = zeros_hbm.at[pl.ds(0, CHUNK)]
    dummy_b = zeros_hbm.at[pl.ds(0, 3 * BLK_E // 64)]

    def drain(sem):
        pltpu.make_async_copy(dummy, rows0, sem).wait()

    def drain_blk():
        pltpu.make_async_copy(dummy_b, rows0.at[pl.ds(0, 3 * BLK_E // 64)],
                              ib).wait()

    def scale(rows, voff):
        for g in range(CHUNK // 16):
            v16 = valb[pl.ds(voff + g * 16, 16)]
            for e in range(16):
                ge = g * 16 + e
                v = v16[e]
                for j in range(EMBED_DIM // 16):
                    col = pl.ds(j * 16, 16)
                    rows[ge, col] = rows[ge, col] * v

    for p in range(4):
        vt = tile + NS * p
        rid = core * NV + vt
        region_off = rid * REGION

        pltpu.sync_copy(counts.at[pl.ds(rid * 16, 16)], cntb)
        cnt = cntb[pl.ds(0, 16)][0]
        npairs = lax.div(cnt + 2 * CHUNK - 1, 2 * CHUNK)
        nblocks = lax.div(npairs + BLK_PAIRS - 1, BLK_PAIRS)

        def load_block(b, par):
            base = region_off + b * BLK_E
            dst = pl.ds(par * BLK_E, BLK_E)
            pltpu.async_copy(src_c.at[pl.ds(base, BLK_E)], srcb.at[dst], ib)
            pltpu.async_copy(val_c.at[pl.ds(base, BLK_E)], valb.at[dst], ib)
            pltpu.async_copy(
                dloc2d.at[pl.ds(rid * R_CHUNKS + b * BLK_CHUNKS, BLK_CHUNKS)],
                dlocb.at[pl.ds(par * BLK_CHUNKS, BLK_CHUNKS)], ib)

        @pl.when(npairs > 0)
        def _():
            load_block(0, 0)
            drain_blk()
            pltpu.async_copy(embeds_hbm.at[srcb.at[pl.ds(0, CHUNK)]],
                             rows0, g0)

            def pair_body(i, carry):
                b = lax.div(i, BLK_PAIRS)
                lp = lax.rem(i, BLK_PAIRS)
                par = lax.rem(b, 2)
                o0 = par * BLK_E + lp * 2 * CHUNK
                o1 = o0 + CHUNK
                row0 = par * BLK_CHUNKS + lp * 2

                @pl.when(i > 0)
                def _():
                    drain(s1)

                @pl.when(jnp.logical_and(lp == 0, i > 0))
                def _():
                    drain_blk()
                @pl.when(jnp.logical_and(lp == 0, b + 1 < nblocks))
                def _():
                    load_block(b + 1, 1 - par)
                pltpu.async_copy(embeds_hbm.at[srcb.at[pl.ds(o1, CHUNK)]],
                                 rows1, g1)
                drain(g0)
                scale(rows0, o0)
                pltpu.async_copy(rows0, acc.at[dlocb.at[row0]], s0, add=True)
                drain(g1)
                drain(s0)

                @pl.when(i < npairs - 1)
                def _():
                    nb = lax.div(i + 1, BLK_PAIRS)
                    npar = lax.rem(nb, 2)
                    no0 = npar * BLK_E + lax.rem(i + 1, BLK_PAIRS) * 2 * CHUNK
                    pltpu.async_copy(embeds_hbm.at[srcb.at[pl.ds(no0, CHUNK)]],
                                     rows0, g0)
                scale(rows1, o1)
                pltpu.async_copy(rows1, acc.at[dlocb.at[row0 + 1]], s1,
                                 add=True)
                return carry

            lax.fori_loop(0, npairs, pair_body, 0)
            drain(s1)

    plsc.subcore_barrier()

    for k in range(8):
        cidx = tile + NS * k
        @pl.when(cidx < N_COPY)
        def _():
            pltpu.sync_copy(
                acc.at[pl.ds(cidx * COPY_ROWS, COPY_ROWS)],
                out_hbm.at[pl.ds(out_base + cidx * COPY_ROWS, COPY_ROWS)])


@jax.jit
def _route(src, dst, vals):
    mesh = plsc.VectorSubcoreMesh(core_axis_name="c", subcore_axis_name="s")
    n = NC * NV * REGION
    f = pl.kernel(
        _route_body,
        out_type=(
            jax.ShapeDtypeStruct((n,), jnp.int32),
            jax.ShapeDtypeStruct((n,), jnp.int32),
            jax.ShapeDtypeStruct((n,), jnp.float32),
            jax.ShapeDtypeStruct((NC * NV * 16,), jnp.int32),
        ),
        mesh=mesh,
        scratch_types=[
            pltpu.VMEM((RT_E,), jnp.int32),
            pltpu.VMEM((RT_E,), jnp.int32),
            pltpu.VMEM((RT_E,), jnp.float32),
            [pltpu.VMEM((RBUF,), jnp.int32) for _ in range(NC)],
            [pltpu.VMEM((RBUF,), jnp.int32) for _ in range(NC)],
            [pltpu.VMEM((RBUF,), jnp.float32) for _ in range(NC)],
            pltpu.VMEM((16,), jnp.int32),
        ],
        compiler_params=pltpu.CompilerParams(use_tc_tiling_on_sc=False,
                                             needs_layout_passes=False),
    )
    return f(src, dst, vals)


@jax.jit
def _run_layer(embeds, src_c, dloc2d, val_c, counts, zeros):
    mesh = plsc.VectorSubcoreMesh(core_axis_name="c", subcore_axis_name="s")
    f = pl.kernel(
        _layer_body,
        out_type=jax.ShapeDtypeStruct((OUT_ROWS, EMBED_DIM), jnp.float32),
        mesh=mesh,
        scratch_types=[
            pltpu.VMEM_SHARED((ACC_ROWS, EMBED_DIM), jnp.float32),
            pltpu.VMEM((2 * BLK_E,), jnp.int32),
            pltpu.VMEM((2 * BLK_CHUNKS, CHUNK), jnp.int32),
            pltpu.VMEM((2 * BLK_E,), jnp.float32),
            pltpu.VMEM((CHUNK, EMBED_DIM), jnp.float32),
            pltpu.VMEM((CHUNK, EMBED_DIM), jnp.float32),
            pltpu.VMEM((16,), jnp.int32),
            pltpu.SemaphoreType.DMA,
            pltpu.SemaphoreType.DMA,
            pltpu.SemaphoreType.DMA,
            pltpu.SemaphoreType.DMA,
            pltpu.SemaphoreType.DMA,
        ],
        compiler_params=pltpu.CompilerParams(use_tc_tiling_on_sc=False,
                                             needs_layout_passes=False),
    )
    return f(embeds, src_c, dloc2d, val_c, counts, zeros)


def kernel(user_emb, item_emb, edge_vals, edge_index):
    embeds = jnp.concatenate([user_emb, item_emb], axis=0)
    embeds = jnp.pad(embeds, ((0, OUT_ROWS - N_NODES), (0, 0)))
    pad_e = E_PAD - N_EDGES
    src = jnp.pad(edge_index[0], (0, pad_e))
    dst = jnp.pad(edge_index[1], (0, pad_e), constant_values=N_NODES + 1)
    vals = jnp.pad(edge_vals, (0, pad_e))
    zeros = jnp.zeros((HALF, EMBED_DIM), jnp.float32)

    src_c, dloc_c, val_c, counts = _route(src, dst, vals)
    dloc2d = dloc_c.reshape(NC * NV * R_CHUNKS, CHUNK)
    for _ in range(N_LAYERS):
        embeds = _run_layer(embeds, src_c, dloc2d, val_c, counts, zeros)
    return embeds[:NUM_USER], embeds[NUM_USER:N_NODES]

# --- scband reference (transcript-rebuilt; emitter-appended) ---
"""Pipeline reference for scband-light-gcn-61993557950655 (READ-ONLY COPY).

The authoritative reference and input builder live on the scoring server;
editing this copy changes nothing except your own understanding.
"""

import jax, jax.numpy as jnp
import numpy as np

NUM_USER = 25000
NUM_ITEM = 25000
EMBED_DIM = 64
N_EDGES = 800000
N_LAYERS = 4
N_NODES = NUM_USER + NUM_ITEM


def setup_inputs(seed: int = 0) -> dict:
    key = jax.random.key(seed)
    k1, k2, k3, k4 = jax.random.split(key, 4)
    # learned parameters: nn.Embedding weights for users and items
    user_emb = jax.random.normal(k1, (NUM_USER, EMBED_DIM), dtype=jnp.float32) * 0.1
    item_emb = jax.random.normal(k2, (NUM_ITEM, EMBED_DIM), dtype=jnp.float32) * 0.1
    # sparse adjacency in COO form: adj[dst, src] = edge_vals (normalized weights)
    edge_index = jax.random.randint(k3, (2, N_EDGES), 0, N_NODES, dtype=jnp.int32)
    edge_vals = jax.random.uniform(k4, (N_EDGES,), dtype=jnp.float32)
    return {
        'user_emb': user_emb,
        'item_emb': item_emb,
        'edge_vals': edge_vals,
        'edge_index': edge_index,
    }


def reference(user_emb, item_emb, edge_vals, edge_index):
    # embeds_list = [cat(user_emb, item_emb)]
    embeds = jnp.concatenate([user_emb, item_emb], axis=0)
    src = edge_index[0]
    dst = edge_index[1]
    # for _ in range(n_layers): new_embeds = spmm(adj, embeds_list[-1])
    # spmm(adj, x)[dst] += adj[dst, src] * x[src]
    for _ in range(N_LAYERS):
        msgs = embeds[src] * edge_vals[:, None]          # gather
        embeds = jax.ops.segment_sum(msgs, dst, num_segments=N_NODES)  # scatter-add
    # return (embeds[:num_user], embeds[num_user:])
    return embeds[:NUM_USER], embeds[NUM_USER:]

if __name__ == "__main__":
    import jax
    _d = setup_inputs()
    print(jax.jit(kernel)(*tuple(_d.values())))

</pallas_src>

<mosaic_0001>
#map = affine_map<(d0, d1) -> (0)>
module attributes {stable_mosaic.version = 14 : i64} {
  func.func @_route_body(%arg0: i32, %arg1: i32, %arg2: memref<800768xi32, #tpu.memory_space<hbm>>, %arg3: memref<800768xi32, #tpu.memory_space<hbm>>, %arg4: memref<800768xf32, #tpu.memory_space<hbm>>, %arg5: memref<1605632xi32, #tpu.memory_space<hbm>>, %arg6: memref<1605632xi32, #tpu.memory_space<hbm>>, %arg7: memref<1605632xf32, #tpu.memory_space<hbm>>, %arg8: memref<2048xi32, #tpu.memory_space<hbm>>, %arg9: memref<12512xi32, #tpu.memory_space<vmem>>, %arg10: memref<12512xi32, #tpu.memory_space<vmem>>, %arg11: memref<12512xf32, #tpu.memory_space<vmem>>, %arg12: memref<12560xi32, #tpu.memory_space<vmem>>, %arg13: memref<12560xi32, #tpu.memory_space<vmem>>, %arg14: memref<12560xi32, #tpu.memory_space<vmem>>, %arg15: memref<12560xi32, #tpu.memory_space<vmem>>, %arg16: memref<12560xf32, #tpu.memory_space<vmem>>, %arg17: memref<12560xf32, #tpu.memory_space<vmem>>, %arg18: memref<16xi32, #tpu.memory_space<vmem>>) attributes {dimension_semantics = [#tpu.dimension_semantics<core_parallel>, #tpu.dimension_semantics<subcore_parallel>], iteration_bounds = array<i64: 2, 16>, scalar_prefetch = 0 : i64, scratch_operands = 10 : i64, tpu.core_type = #tpu.core_type<sc_vector_subcore>, window_params = [{transform_indices = #map}, {transform_indices = #map}, {transform_indices = #map}, {transform_indices = #map}, {transform_indices = #map}, {transform_indices = #map}, {transform_indices = #map}]} {
    %mul3A = arith.constant 16 : i32
    %mul3A_0 = arith.muli %arg0, %mul3A : i32
    %add3A = arith.addi %mul3A_0, %arg1 : i32
    %add3A_1 = arith.constant 0 : i32
    %add3A_2 = arith.addi %add3A, %add3A_1 : i32
    %mul3A_3 = arith.constant 12512 : i32
    %mul3A_4 = arith.muli %add3A_2, %mul3A_3 : i32
    "tpu.region"() ({
      %run_scoped3A = tpu.sem_alloc : memref<!tpu.dma_semaphore, #tpu.memory_space<semaphore_mem>>
      %dma_start3A = tpu.memref_slice %arg2[%mul3A_4] : memref<800768xi32, #tpu.memory_space<hbm>> -> memref<12512xi32, #tpu.memory_space<hbm>>
      %dma_start3A_98 = tpu.memref_slice %arg2[%mul3A_4] : memref<800768xi32, #tpu.memory_space<hbm>> -> memref<12512xi32, #tpu.memory_space<hbm>>
      tpu.enqueue_dma source(%dma_start3A_98 : memref<12512xi32, #tpu.memory_space<hbm>>) target(%arg9 : memref<12512xi32, #tpu.memory_space<vmem>>) target_semaphore(%run_scoped3A : memref<!tpu.dma_semaphore, #tpu.memory_space<semaphore_mem>>)
      %dma_wait3A = tpu.memref_slice %arg2[%mul3A_4] : memref<800768xi32, #tpu.memory_space<hbm>> -> memref<12512xi32, #tpu.memory_space<hbm>>
      %dma_wait3A_99 = tpu.memref_slice %arg2[%mul3A_4] : memref<800768xi32, #tpu.memory_space<hbm>> -> memref<12512xi32, #tpu.memory_space<hbm>>
      tpu.wait_dma2 semaphore(%run_scoped3A : memref<!tpu.dma_semaphore, #tpu.memory_space<semaphore_mem>>) src(%dma_wait3A_99 : memref<12512xi32, #tpu.memory_space<hbm>>) dst(%arg9 : memref<12512xi32, #tpu.memory_space<vmem>>)
      tpu.yield
    }) : () -> ()
    "tpu.region"() ({
      %run_scoped3A = tpu.sem_alloc : memref<!tpu.dma_semaphore, #tpu.memory_space<semaphore_mem>>
      %dma_start3A = tpu.memref_slice %arg3[%mul3A_4] : memref<800768xi32, #tpu.memory_space<hbm>> -> memref<12512xi32, #tpu.memory_space<hbm>>
      %dma_start3A_98 = tpu.memref_slice %arg3[%mul3A_4] : memref<800768xi32, #tpu.memory_space<hbm>> -> memref<12512xi32, #tpu.memory_space<hbm>>
      tpu.enqueue_dma source(%dma_start3A_98 : memref<12512xi32, #tpu.memory_space<hbm>>) target(%arg10 : memref<12512xi32, #tpu.memory_space<vmem>>) target_semaphore(%run_scoped3A : memref<!tpu.dma_semaphore, #tpu.memory_space<semaphore_mem>>)
      %dma_wait3A = tpu.memref_slice %arg3[%mul3A_4] : memref<800768xi32, #tpu.memory_space<hbm>> -> memref<12512xi32, #tpu.memory_space<hbm>>
      %dma_wait3A_99 = tpu.memref_slice %arg3[%mul3A_4] : memref<800768xi32, #tpu.memory_space<hbm>> -> memref<12512xi32, #tpu.memory_space<hbm>>
      tpu.wait_dma2 semaphore(%run_scoped3A : memref<!tpu.dma_semaphore, #tpu.memory_space<semaphore_mem>>) src(%dma_wait3A_99 : memref<12512xi32, #tpu.memory_space<hbm>>) dst(%arg10 : memref<12512xi32, #tpu.memory_space<vmem>>)
      tpu.yield
    }) : () -> ()
    "tpu.region"() ({
      %run_scoped3A = tpu.sem_alloc : memref<!tpu.dma_semaphore, #tpu.memory_space<semaphore_mem>>
      %dma_start3A = tpu.memref_slice %arg4[%mul3A_4] : memref<800768xf32, #tpu.memory_space<hbm>> -> memref<12512xf32, #tpu.memory_space<hbm>>
      %dma_start3A_98 = tpu.memref_slice %arg4[%mul3A_4] : memref<800768xf32, #tpu.memory_space<hbm>> -> memref<12512xf32, #tpu.memory_space<hbm>>
      tpu.enqueue_dma source(%dma_start3A_98 : memref<12512xf32, #tpu.memory_space<hbm>>) target(%arg11 : memref<12512xf32, #tpu.memory_space<vmem>>) target_semaphore(%run_scoped3A : memref<!tpu.dma_semaphore, #tpu.memory_space<semaphore_mem>>)
      %dma_wait3A = tpu.memref_slice %arg4[%mul3A_4] : memref<800768xf32, #tpu.memory_space<hbm>> -> memref<12512xf32, #tpu.memory_space<hbm>>
      %dma_wait3A_99 = tpu.memref_slice %arg4[%mul3A_4] : memref<800768xf32, #tpu.memory_space<hbm>> -> memref<12512xf32, #tpu.memory_space<hbm>>
      tpu.wait_dma2 semaphore(%run_scoped3A : memref<!tpu.dma_semaphore, #tpu.memory_space<semaphore_mem>>) src(%dma_wait3A_99 : memref<12512xf32, #tpu.memory_space<hbm>>) dst(%arg11 : memref<12512xf32, #tpu.memory_space<vmem>>)
      tpu.yield
    }) : () -> ()
    %broadcast_in_dim3A = arith.constant 0 : i32
    %broadcast_in_dim3A_5 = vector.broadcast %broadcast_in_dim3A : i32 to vector<16xi32>
    %broadcast_in_dim3A_6 = arith.constant 0.000000e+00 : f32
    %broadcast_in_dim3A_7 = vector.broadcast %broadcast_in_dim3A_6 : f32 to vector<16xf32>
    %scan3A = arith.constant 0 : i32
    %scan3A_8 = arith.constant 0 : i32
    %scan3A_9 = arith.constant 785 : i32
    %scan3A_10 = arith.addi %scan3A_8, %scan3A_9 : i32
    %scan3A_11 = arith.constant 1 : i32
    scf.for %scan3A_98 = %scan3A_8 to %scan3A_10 step %scan3A_11  : i32 {
      %mul3A_99 = arith.constant 16 : i32
      %mul3A_100 = arith.muli %scan3A_98, %mul3A_99 : i32
      %swap3A_101 = arith.index_cast %mul3A_100 : i32 to index
      %swap3A_102 = tpu.vector_load %arg12[%swap3A_101] {strides = array<i32>} : memref<12560xi32, #tpu.memory_space<vmem>>, vector<16xi32>,
      tpu.vector_store %arg12[%swap3A_101], %broadcast_in_dim3A_5 {strides = array<i32>} : memref<12560xi32, #tpu.memory_space<vmem>>, vector<16xi32>,
      %swap3A_103 = arith.index_cast %mul3A_100 : i32 to index
      %swap3A_104 = tpu.vector_load %arg14[%swap3A_103] {strides = array<i32>} : memref<12560xi32, #tpu.memory_space<vmem>>, vector<16xi32>,
      tpu.vector_store %arg14[%swap3A_103], %broadcast_in_dim3A_5 {strides = array<i32>} : memref<12560xi32, #tpu.memory_space<vmem>>, vector<16xi32>,
      %swap3A_105 = arith.index_cast %mul3A_100 : i32 to index
      %swap3A_106 = tpu.vector_load %arg16[%swap3A_105] {strides = array<i32>} : memref<12560xf32, #tpu.memory_space<vmem>>, vector<16xf32>,
      tpu.vector_store %arg16[%swap3A_105], %broadcast_in_dim3A_7 {strides = array<i32>} : memref<12560xf32, #tpu.memory_space<vmem>>, vector<16xf32>,
      %swap3A_107 = arith.index_cast %mul3A_100 : i32 to index
      %swap3A_108 = tpu.vector_load %arg13[%swap3A_107] {strides = array<i32>} : memref<12560xi32, #tpu.memory_space<vmem>>, vector<16xi32>,
      tpu.vector_store %arg13[%swap3A_107], %broadcast_in_dim3A_5 {strides = array<i32>} : memref<12560xi32, #tpu.memory_space<vmem>>, vector<16xi32>,
      %swap3A_109 = arith.index_cast %mul3A_100 : i32 to index
      %swap3A_110 = tpu.vector_load %arg15[%swap3A_109] {strides = array<i32>} : memref<12560xi32, #tpu.memory_space<vmem>>, vector<16xi32>,
      tpu.vector_store %arg15[%swap3A_109], %broadcast_in_dim3A_5 {strides = array<i32>} : memref<12560xi32, #tpu.memory_space<vmem>>, vector<16xi32>,
      %swap3A_111 = arith.index_cast %mul3A_100 : i32 to index
      %swap3A_112 = tpu.vector_load %arg17[%swap3A_111] {strides = array<i32>} : memref<12560xf32, #tpu.memory_space<vmem>>, vector<16xf32>,
      tpu.vector_store %arg17[%swap3A_111], %broadcast_in_dim3A_7 {strides = array<i32>} : memref<12560xf32, #tpu.memory_space<vmem>>, vector<16xf32>,
    }
    %scan3A_12 = arith.constant 785 : i32
    %scan3A_13 = arith.constant 0 : i32
    %scan3A_14 = arith.constant 0 : i32
    %scan3A_15 = arith.constant 0 : i32
    %scan3A_16 = arith.constant 782 : i32
    %scan3A_17 = arith.addi %scan3A_15, %scan3A_16 : i32
    %scan3A_18 = arith.constant 1 : i32
    %scan3A_19:2 = scf.for %scan3A_98 = %scan3A_15 to %scan3A_17 step %scan3A_18 iter_args(%scan3A_99 = %scan3A_13, %scan3A_100 = %scan3A_14) -> (i32, i32)  : i32 {
      %mul3A_101 = arith.constant 16 : i32
      %mul3A_102 = arith.muli %scan3A_98, %mul3A_101 : i32
      %get3A = arith.index_cast %mul3A_102 : i32 to index
      %get3A_103 = tpu.vector_load %arg9[%get3A] {strides = array<i32>} : memref<12512xi32, #tpu.memory_space<vmem>>, vector<16xi32>,
      %get3A_104 = arith.index_cast %mul3A_102 : i32 to index
      %get3A_105 = tpu.vector_load %arg10[%get3A_104] {strides = array<i32>} : memref<12512xi32, #tpu.memory_space<vmem>>, vector<16xi32>,
      %get3A_106 = arith.index_cast %mul3A_102 : i32 to index
      %get3A_107 = tpu.vector_load %arg11[%get3A_106] {strides = array<i32>} : memref<12512xf32, #tpu.memory_space<vmem>>, vector<16xf32>,
      %iota3A = tpu.iota {dimensions = array<i32: 0>} : vector<16xi32>
      %sub3A = arith.constant 0 : i32
      %sub3A_108 = vector.broadcast %sub3A : i32 to vector<16xi32>
      %sub3A_109 = arith.subi %get3A_105, %sub3A_108 : vector<16xi32>
      %ge3A = arith.constant 0 : i32
      %ge3A_110 = vector.broadcast %ge3A : i32 to vector<16xi32>
      %ge3A_111 = arith.cmpi sge, %sub3A_109, %ge3A_110 : vector<16xi32>
      %lt3A = arith.constant 25000 : i32
      %lt3A_112 = vector.broadcast %lt3A : i32 to vector<16xi32>
      %lt3A_113 = arith.cmpi slt, %sub3A_109, %lt3A_112 : vector<16xi32>
      %and3A = arith.andi %ge3A_111, %lt3A_113 : vector<16xi1>
      %broadcast_in_dim3A_114 = arith.constant 1 : i32
      %broadcast_in_dim3A_115 = vector.broadcast %broadcast_in_dim3A_114 : i32 to vector<16xi32>
      %broadcast_in_dim3A_116 = arith.constant 0 : i32
      %broadcast_in_dim3A_117 = vector.broadcast %broadcast_in_dim3A_116 : i32 to vector<16xi32>
      %select_n3A = arith.select %and3A, %broadcast_in_dim3A_115, %broadcast_in_dim3A_117 : vector<16xi1>, vector<16xi32>
      %sub3A_118 = arith.constant 1 : i32
      %sub3A_119 = vector.broadcast %sub3A_118 : i32 to vector<16xi32>
      %sub3A_120 = arith.subi %iota3A, %sub3A_119 : vector<16xi32>
      %max3A = arith.constant 0 : i32
      %max3A_121 = vector.broadcast %max3A : i32 to vector<16xi32>
      %max3A_122 = arith.maxsi %sub3A_120, %max3A_121 : vector<16xi32>
      %lt3A_123 = arith.constant 0 : i32
      %lt3A_124 = vector.broadcast %lt3A_123 : i32 to vector<16xi32>
      %lt3A_125 = arith.cmpi slt, %max3A_122, %lt3A_124 : vector<16xi32>
      %add3A_126 = arith.constant 16 : i32
      %add3A_127 = vector.broadcast %add3A_126 : i32 to vector<16xi32>
      %add3A_128 = arith.addi %max3A_122, %add3A_127 : vector<16xi32>
      %select_n3A_129 = arith.select %lt3A_125, %add3A_128, %max3A_122 : vector<16xi1>, vector<16xi32>
      %broadcast_in_dim3A_130 = vector.shape_cast %select_n3A_129 : vector<16xi32> to vector<16x1xi32>
      %gather3A = vector.shape_cast %broadcast_in_dim3A_130 : vector<16x1xi32> to vector<16xi32>
      %gather3A_131 = tpu.dynamic_gather %select_n3A[%gather3A] in [0] : vector<16xi32>, vector<16xi32> -> vector<16xi32>
      %ge3A_132 = arith.constant 1 : i32
      %ge3A_133 = vector.broadcast %ge3A_132 : i32 to vector<16xi32>
      %ge3A_134 = arith.cmpi sge, %iota3A, %ge3A_133 : vector<16xi32>
      %broadcast_in_dim3A_135 = arith.constant 0 : i32
      %broadcast_in_dim3A_136 = vector.broadcast %broadcast_in_dim3A_135 : i32 to vector<16xi32>
      %select_n3A_137 = arith.select %ge3A_134, %gather3A_131, %broadcast_in_dim3A_136 : vector<16xi1>, vector<16xi32>
      %add3A_138 = arith.addi %select_n3A, %select_n3A_137 : vector<16xi32>
      %sub3A_139 = arith.constant 2 : i32
      %sub3A_140 = vector.broadcast %sub3A_139 : i32 to vector<16xi32>
      %sub3A_141 = arith.subi %iota3A, %sub3A_140 : vector<16xi32>
      %max3A_142 = arith.constant 0 : i32
      %max3A_143 = vector.broadcast %max3A_142 : i32 to vector<16xi32>
      %max3A_144 = arith.maxsi %sub3A_141, %max3A_143 : vector<16xi32>
      %lt3A_145 = arith.constant 0 : i32
      %lt3A_146 = vector.broadcast %lt3A_145 : i32 to vector<16xi32>
      %lt3A_147 = arith.cmpi slt, %max3A_144, %lt3A_146 : vector<16xi32>
      %add3A_148 = arith.constant 16 : i32
      %add3A_149 = vector.broadcast %add3A_148 : i32 to vector<16xi32>
      %add3A_150 = arith.addi %max3A_144, %add3A_149 : vector<16xi32>
      %select_n3A_151 = arith.select %lt3A_147, %add3A_150, %max3A_144 : vector<16xi1>, vector<16xi32>
      %broadcast_in_dim3A_152 = vector.shape_cast %select_n3A_151 : vector<16xi32> to vector<16x1xi32>
      %gather3A_153 = vector.shape_cast %broadcast_in_dim3A_152 : vector<16x1xi32> to vector<16xi32>
      %gather3A_154 = tpu.dynamic_gather %add3A_138[%gather3A_153] in [0] : vector<16xi32>, vector<16xi32> -> vector<16xi32>
      %ge3A_155 = arith.constant 2 : i32
      %ge3A_156 = vector.broadcast %ge3A_155 : i32 to vector<16xi32>
      %ge3A_157 = arith.cmpi sge, %iota3A, %ge3A_156 : vector<16xi32>
      %broadcast_in_dim3A_158 = arith.constant 0 : i32
      %broadcast_in_dim3A_159 = vector.broadcast %broadcast_in_dim3A_158 : i32 to vector<16xi32>
      %select_n3A_160 = arith.select %ge3A_157, %gather3A_154, %broadcast_in_dim3A_159 : vector<16xi1>, vector<16xi32>
      %add3A_161 = arith.addi %add3A_138, %select_n3A_160 : vector<16xi32>
      %sub3A_162 = arith.constant 4 : i32
      %sub3A_163 = vector.broadcast %sub3A_162 : i32 to vector<16xi32>
      %sub3A_164 = arith.subi %iota3A, %sub3A_163 : vector<16xi32>
      %max3A_165 = arith.constant 0 : i32
      %max3A_166 = vector.broadcast %max3A_165 : i32 to vector<16xi32>
      %max3A_167 = arith.maxsi %sub3A_164, %max3A_166 : vector<16xi32>
      %lt3A_168 = arith.constant 0 : i32
      %lt3A_169 = vector.broadcast %lt3A_168 : i32 to vector<16xi32>
      %lt3A_170 = arith.cmpi slt, %max3A_167, %lt3A_169 : vector<16xi32>
      %add3A_171 = arith.constant 16 : i32
      %add3A_172 = vector.broadcast %add3A_171 : i32 to vector<16xi32>
      %add3A_173 = arith.addi %max3A_167, %add3A_172 : vector<16xi32>
      %select_n3A_174 = arith.select %lt3A_170, %add3A_173, %max3A_167 : vector<16xi1>, vector<16xi32>
      %broadcast_in_dim3A_175 = vector.shape_cast %select_n3A_174 : vector<16xi32> to vector<16x1xi32>
      %gather3A_176 = vector.shape_cast %broadcast_in_dim3A_175 : vector<16x1xi32> to vector<16xi32>
      %gather3A_177 = tpu.dynamic_gather %add3A_161[%gather3A_176] in [0] : vector<16xi32>, vector<16xi32> -> vector<16xi32>
      %ge3A_178 = arith.constant 4 : i32
      %ge3A_179 = vector.broadcast %ge3A_178 : i32 to vector<16xi32>
      %ge3A_180 = arith.cmpi sge, %iota3A, %ge3A_179 : vector<16xi32>
      %broadcast_in_dim3A_181 = arith.constant 0 : i32
      %broadcast_in_dim3A_182 = vector.broadcast %broadcast_in_dim3A_181 : i32 to vector<16xi32>
      %select_n3A_183 = arith.select %ge3A_180, %gather3A_177, %broadcast_in_dim3A_182 : vector<16xi1>, vector<16xi32>
      %add3A_184 = arith.addi %add3A_161, %select_n3A_183 : vector<16xi32>
      %sub3A_185 = arith.constant 8 : i32
      %sub3A_186 = vector.broadcast %sub3A_185 : i32 to vector<16xi32>
      %sub3A_187 = arith.subi %iota3A, %sub3A_186 : vector<16xi32>
      %max3A_188 = arith.constant 0 : i32
      %max3A_189 = vector.broadcast %max3A_188 : i32 to vector<16xi32>
      %max3A_190 = arith.maxsi %sub3A_187, %max3A_189 : vector<16xi32>
      %lt3A_191 = arith.constant 0 : i32
      %lt3A_192 = vector.broadcast %lt3A_191 : i32 to vector<16xi32>
      %lt3A_193 = arith.cmpi slt, %max3A_190, %lt3A_192 : vector<16xi32>
      %add3A_194 = arith.constant 16 : i32
      %add3A_195 = vector.broadcast %add3A_194 : i32 to vector<16xi32>
      %add3A_196 = arith.addi %max3A_190, %add3A_195 : vector<16xi32>
      %select_n3A_197 = arith.select %lt3A_193, %add3A_196, %max3A_190 : vector<16xi1>, vector<16xi32>
      %broadcast_in_dim3A_198 = vector.shape_cast %select_n3A_197 : vector<16xi32> to vector<16x1xi32>
      %gather3A_199 = vector.shape_cast %broadcast_in_dim3A_198 : vector<16x1xi32> to vector<16xi32>
      %gather3A_200 = tpu.dynamic_gather %add3A_184[%gather3A_199] in [0] : vector<16xi32>, vector<16xi32> -> vector<16xi32>
      %ge3A_201 = arith.constant 8 : i32
      %ge3A_202 = vector.broadcast %ge3A_201 : i32 to vector<16xi32>
      %ge3A_203 = arith.cmpi sge, %iota3A, %ge3A_202 : vector<16xi32>
      %broadcast_in_dim3A_204 = arith.constant 0 : i32
      %broadcast_in_dim3A_205 = vector.broadcast %broadcast_in_dim3A_204 : i32 to vector<16xi32>
      %select_n3A_206 = arith.select %ge3A_203, %gather3A_200, %broadcast_in_dim3A_205 : vector<16xi1>, vector<16xi32>
      %add3A_207 = arith.addi %add3A_184, %select_n3A_206 : vector<16xi32>
      %slice3A = vector.extract_strided_slice %add3A_207 {offsets = [15], sizes = [1], strides = [1]} : vector<16xi32> to vector<1xi32>
      %squeeze3A = vector.extract %slice3A[0] : i32 from vector<1xi32>
      %sub3A_208 = arith.subi %add3A_207, %select_n3A : vector<16xi32>
      %add3A_209 = vector.broadcast %scan3A_99 : i32 to vector<16xi32>
      %add3A_210 = arith.addi %add3A_209, %sub3A_208 : vector<16xi32>
      %jit3A = arith.constant 12544 : i32
      %broadcast_in_dim3A_211 = vector.broadcast %jit3A : i32 to vector<16xi32>
      %select_n3A_212 = arith.select %and3A, %add3A_210, %broadcast_in_dim3A_211 : vector<16xi1>, vector<16xi32>
      tpu.vector_store_idx %arg12[%select_n3A_212], %get3A_103 : memref<12560xi32, #tpu.memory_space<vmem>>[vector<16xi32>], vector<16xi32>,
      tpu.vector_store_idx %arg14[%select_n3A_212], %sub3A_109 : memref<12560xi32, #tpu.memory_space<vmem>>[vector<16xi32>], vector<16xi32>,
      tpu.vector_store_idx %arg16[%select_n3A_212], %get3A_107 : memref<12560xf32, #tpu.memory_space<vmem>>[vector<16xi32>], vector<16xf32>,
      %add3A_213 = arith.addi %scan3A_99, %squeeze3A : i32
      %sub3A_214 = arith.constant 25000 : i32
      %sub3A_215 = vector.broadcast %sub3A_214 : i32 to vector<16xi32>
      %sub3A_216 = arith.subi %get3A_105, %sub3A_215 : vector<16xi32>
      %ge3A_217 = arith.constant 0 : i32
      %ge3A_218 = vector.broadcast %ge3A_217 : i32 to vector<16xi32>
      %ge3A_219 = arith.cmpi sge, %sub3A_216, %ge3A_218 : vector<16xi32>
      %lt3A_220 = arith.constant 25000 : i32
      %lt3A_221 = vector.broadcast %lt3A_220 : i32 to vector<16xi32>
      %lt3A_222 = arith.cmpi slt, %sub3A_216, %lt3A_221 : vector<16xi32>
      %and3A_223 = arith.andi %ge3A_219, %lt3A_222 : vector<16xi1>
      %broadcast_in_dim3A_224 = arith.constant 1 : i32
      %broadcast_in_dim3A_225 = vector.broadcast %broadcast_in_dim3A_224 : i32 to vector<16xi32>
      %broadcast_in_dim3A_226 = arith.constant 0 : i32
      %broadcast_in_dim3A_227 = vector.broadcast %broadcast_in_dim3A_226 : i32 to vector<16xi32>
      %select_n3A_228 = arith.select %and3A_223, %broadcast_in_dim3A_225, %broadcast_in_dim3A_227 : vector<16xi1>, vector<16xi32>
      %sub3A_229 = arith.constant 1 : i32
      %sub3A_230 = vector.broadcast %sub3A_229 : i32 to vector<16xi32>
      %sub3A_231 = arith.subi %iota3A, %sub3A_230 : vector<16xi32>
      %max3A_232 = arith.constant 0 : i32
      %max3A_233 = vector.broadcast %max3A_232 : i32 to vector<16xi32>
      %max3A_234 = arith.maxsi %sub3A_231, %max3A_233 : vector<16xi32>
      %lt3A_235 = arith.constant 0 : i32
      %lt3A_236 = vector.broadcast %lt3A_235 : i32 to vector<16xi32>
      %lt3A_237 = arith.cmpi slt, %max3A_234, %lt3A_236 : vector<16xi32>
      %add3A_238 = arith.constant 16 : i32
      %add3A_239 = vector.broadcast %add3A_238 : i32 to vector<16xi32>
      %add3A_240 = arith.addi %max3A_234, %add3A_239 : vector<16xi32>
      %select_n3A_241 = arith.select %lt3A_237, %add3A_240, %max3A_234 : vector<16xi1>, vector<16xi32>
      %broadcast_in_dim3A_242 = vector.shape_cast %select_n3A_241 : vector<16xi32> to vector<16x1xi32>
      %gather3A_243 = vector.shape_cast %broadcast_in_dim3A_242 : vector<16x1xi32> to vector<16xi32>
      %gather3A_244 = tpu.dynamic_gather %select_n3A_228[%gather3A_243] in [0] : vector<16xi32>, vector<16xi32> -> vector<16xi32>
      %ge3A_245 = arith.constant 1 : i32
      %ge3A_246 = vector.broadcast %ge3A_245 : i32 to vector<16xi32>
      %ge3A_247 = arith.cmpi sge, %iota3A, %ge3A_246 : vector<16xi32>
      %broadcast_in_dim3A_248 = arith.constant 0 : i32
      %broadcast_in_dim3A_249 = vector.broadcast %broadcast_in_dim3A_248 : i32 to vector<16xi32>
      %select_n3A_250 = arith.select %ge3A_247, %gather3A_244, %broadcast_in_dim3A_249 : vector<16xi1>, vector<16xi32>
      %add3A_251 = arith.addi %select_n3A_228, %select_n3A_250 : vector<16xi32>
      %sub3A_252 = arith.constant 2 : i32
      %sub3A_253 = vector.broadcast %sub3A_252 : i32 to vector<16xi32>
      %sub3A_254 = arith.subi %iota3A, %sub3A_253 : vector<16xi32>
      %max3A_255 = arith.constant 0 : i32
      %max3A_256 = vector.broadcast %max3A_255 : i32 to vector<16xi32>
      %max3A_257 = arith.maxsi %sub3A_254, %max3A_256 : vector<16xi32>
      %lt3A_258 = arith.constant 0 : i32
      %lt3A_259 = vector.broadcast %lt3A_258 : i32 to vector<16xi32>
      %lt3A_260 = arith.cmpi slt, %max3A_257, %lt3A_259 : vector<16xi32>
      %add3A_261 = arith.constant 16 : i32
      %add3A_262 = vector.broadcast %add3A_261 : i32 to vector<16xi32>
      %add3A_263 = arith.addi %max3A_257, %add3A_262 : vector<16xi32>
      %select_n3A_264 = arith.select %lt3A_260, %add3A_263, %max3A_257 : vector<16xi1>, vector<16xi32>
      %broadcast_in_dim3A_265 = vector.shape_cast %select_n3A_264 : vector<16xi32> to vector<16x1xi32>
      %gather3A_266 = vector.shape_cast %broadcast_in_dim3A_265 : vector<16x1xi32> to vector<16xi32>
      %gather3A_267 = tpu.dynamic_gather %add3A_251[%gather3A_266] in [0] : vector<16xi32>, vector<16xi32> -> vector<16xi32>
      %ge3A_268 = arith.constant 2 : i32
      %ge3A_269 = vector.broadcast %ge3A_268 : i32 to vector<16xi32>
      %ge3A_270 = arith.cmpi sge, %iota3A, %ge3A_269 : vector<16xi32>
      %broadcast_in_dim3A_271 = arith.constant 0 : i32
      %broadcast_in_dim3A_272 = vector.broadcast %broadcast_in_dim3A_271 : i32 to vector<16xi32>
      %select_n3A_273 = arith.select %ge3A_270, %gather3A_267, %broadcast_in_dim3A_272 : vector<16xi1>, vector<16xi32>
      %add3A_274 = arith.addi %add3A_251, %select_n3A_273 : vector<16xi32>
      %sub3A_275 = arith.constant 4 : i32
      %sub3A_276 = vector.broadcast %sub3A_275 : i32 to vector<16xi32>
      %sub3A_277 = arith.subi %iota3A, %sub3A_276 : vector<16xi32>
      %max3A_278 = arith.constant 0 : i32
      %max3A_279 = vector.broadcast %max3A_278 : i32 to vector<16xi32>
      %max3A_280 = arith.maxsi %sub3A_277, %max3A_279 : vector<16xi32>
      %lt3A_281 = arith.constant 0 : i32
      %lt3A_282 = vector.broadcast %lt3A_281 : i32 to vector<16xi32>
      %lt3A_283 = arith.cmpi slt, %max3A_280, %lt3A_282 : vector<16xi32>
      %add3A_284 = arith.constant 16 : i32
      %add3A_285 = vector.broadcast %add3A_284 : i32 to vector<16xi32>
      %add3A_286 = arith.addi %max3A_280, %add3A_285 : vector<16xi32>
      %select_n3A_287 = arith.select %lt3A_283, %add3A_286, %max3A_280 : vector<16xi1>, vector<16xi32>
      %broadcast_in_dim3A_288 = vector.shape_cast %select_n3A_287 : vector<16xi32> to vector<16x1xi32>
      %gather3A_289 = vector.shape_cast %broadcast_in_dim3A_288 : vector<16x1xi32> to vector<16xi32>
      %gather3A_290 = tpu.dynamic_gather %add3A_274[%gather3A_289] in [0] : vector<16xi32>, vector<16xi32> -> vector<16xi32>
      %ge3A_291 = arith.constant 4 : i32
      %ge3A_292 = vector.broadcast %ge3A_291 : i32 to vector<16xi32>
      %ge3A_293 = arith.cmpi sge, %iota3A, %ge3A_292 : vector<16xi32>
      %broadcast_in_dim3A_294 = arith.constant 0 : i32
      %broadcast_in_dim3A_295 = vector.broadcast %broadcast_in_dim3A_294 : i32 to vector<16xi32>
      %select_n3A_296 = arith.select %ge3A_293, %gather3A_290, %broadcast_in_dim3A_295 : vector<16xi1>, vector<16xi32>
      %add3A_297 = arith.addi %add3A_274, %select_n3A_296 : vector<16xi32>
      %sub3A_298 = arith.constant 8 : i32
      %sub3A_299 = vector.broadcast %sub3A_298 : i32 to vector<16xi32>
      %sub3A_300 = arith.subi %iota3A, %sub3A_299 : vector<16xi32>
      %max3A_301 = arith.constant 0 : i32
      %max3A_302 = vector.broadcast %max3A_301 : i32 to vector<16xi32>
      %max3A_303 = arith.maxsi %sub3A_300, %max3A_302 : vector<16xi32>
      %lt3A_304 = arith.constant 0 : i32
      %lt3A_305 = vector.broadcast %lt3A_304 : i32 to vector<16xi32>
      %lt3A_306 = arith.cmpi slt, %max3A_303, %lt3A_305 : vector<16xi32>
      %add3A_307 = arith.constant 16 : i32
      %add3A_308 = vector.broadcast %add3A_307 : i32 to vector<16xi32>
      %add3A_309 = arith.addi %max3A_303, %add3A_308 : vector<16xi32>
      %select_n3A_310 = arith.select %lt3A_306, %add3A_309, %max3A_303 : vector<16xi1>, vector<16xi32>
      %broadcast_in_dim3A_311 = vector.shape_cast %select_n3A_310 : vector<16xi32> to vector<16x1xi32>
      %gather3A_312 = vector.shape_cast %broadcast_in_dim3A_311 : vector<16x1xi32> to vector<16xi32>
      %gather3A_313 = tpu.dynamic_gather %add3A_297[%gather3A_312] in [0] : vector<16xi32>, vector<16xi32> -> vector<16xi32>
      %ge3A_314 = arith.constant 8 : i32
      %ge3A_315 = vector.broadcast %ge3A_314 : i32 to vector<16xi32>
      %ge3A_316 = arith.cmpi sge, %iota3A, %ge3A_315 : vector<16xi32>
      %broadcast_in_dim3A_317 = arith.constant 0 : i32
      %broadcast_in_dim3A_318 = vector.broadcast %broadcast_in_dim3A_317 : i32 to vector<16xi32>
      %select_n3A_319 = arith.select %ge3A_316, %gather3A_313, %broadcast_in_dim3A_318 : vector<16xi1>, vector<16xi32>
      %add3A_320 = arith.addi %add3A_297, %select_n3A_319 : vector<16xi32>
      %slice3A_321 = vector.extract_strided_slice %add3A_320 {offsets = [15], sizes = [1], strides = [1]} : vector<16xi32> to vector<1xi32>
      %squeeze3A_322 = vector.extract %slice3A_321[0] : i32 from vector<1xi32>
      %sub3A_323 = arith.subi %add3A_320, %select_n3A_228 : vector<16xi32>
      %add3A_324 = vector.broadcast %scan3A_100 : i32 to vector<16xi32>
      %add3A_325 = arith.addi %add3A_324, %sub3A_323 : vector<16xi32>
      %jit3A_326 = arith.constant 12544 : i32
      %broadcast_in_dim3A_327 = vector.broadcast %jit3A_326 : i32 to vector<16xi32>
      %select_n3A_328 = arith.select %and3A_223, %add3A_325, %broadcast_in_dim3A_327 : vector<16xi1>, vector<16xi32>
      tpu.vector_store_idx %arg13[%select_n3A_328], %get3A_103 : memref<12560xi32, #tpu.memory_space<vmem>>[vector<16xi32>], vector<16xi32>,
      tpu.vector_store_idx %arg15[%select_n3A_328], %sub3A_216 : memref<12560xi32, #tpu.memory_space<vmem>>[vector<16xi32>], vector<16xi32>,
      tpu.vector_store_idx %arg17[%select_n3A_328], %get3A_107 : memref<12560xf32, #tpu.memory_space<vmem>>[vector<16xi32>], vector<16xf32>,
      %add3A_329 = arith.addi %scan3A_100, %squeeze3A_322 : i32
      scf.yield %add3A_213, %add3A_329 : i32, i32
    }
    %scan3A_20 = arith.constant 782 : i32
    %add3A_21 = arith.constant 0 : i32
    %add3A_22 = arith.addi %add3A_21, %add3A_2 : i32
    %mul3A_23 = arith.constant 12544 : i32
    %mul3A_24 = arith.muli %add3A_22, %mul3A_23 : i32
    "tpu.region"() ({
      %run_scoped3A = tpu.sem_alloc : memref<!tpu.dma_semaphore, #tpu.memory_space<semaphore_mem>>
      %dma_start3A = arith.constant 0 : i32
      %dma_start3A_98 = tpu.memref_slice %arg12[%dma_start3A] : memref<12560xi32, #tpu.memory_space<vmem>> -> memref<12544xi32, #tpu.memory_space<vmem>>
      %dma_start3A_99 = tpu.memref_slice %arg5[%mul3A_24] : memref<1605632xi32, #tpu.memory_space<hbm>> -> memref<12544xi32, #tpu.memory_space<hbm>>
      %dma_start3A_100 = tpu.memref_slice %arg5[%mul3A_24] : memref<1605632xi32, #tpu.memory_space<hbm>> -> memref<12544xi32, #tpu.memory_space<hbm>>
      %dma_start3A_101 = arith.constant 0 : i32
      %dma_start3A_102 = tpu.memref_slice %arg12[%dma_start3A_101] : memref<12560xi32, #tpu.memory_space<vmem>> -> memref<12544xi32, #tpu.memory_space<vmem>>
      tpu.enqueue_dma source(%dma_start3A_102 : memref<12544xi32, #tpu.memory_space<vmem>>) target(%dma_start3A_100 : memref<12544xi32, #tpu.memory_space<hbm>>) target_semaphore(%run_scoped3A : memref<!tpu.dma_semaphore, #tpu.memory_space<semaphore_mem>>)
      %dma_wait3A = arith.constant 0 : i32
      %dma_wait3A_103 = tpu.memref_slice %arg12[%dma_wait3A] : memref<12560xi32, #tpu.memory_space<vmem>> -> memref<12544xi32, #tpu.memory_space<vmem>>
      %dma_wait3A_104 = tpu.memref_slice %arg5[%mul3A_24] : memref<1605632xi32, #tpu.memory_space<hbm>> -> memref<12544xi32, #tpu.memory_space<hbm>>
      %dma_wait3A_105 = tpu.memref_slice %arg5[%mul3A_24] : memref<1605632xi32, #tpu.memory_space<hbm>> -> memref<12544xi32, #tpu.memory_space<hbm>>
      %dma_wait3A_106 = arith.constant 0 : i32
      %dma_wait3A_107 = tpu.memref_slice %arg12[%dma_wait3A_106] : memref<12560xi32, #tpu.memory_space<vmem>> -> memref<12544xi32, #tpu.memory_space<vmem>>
      tpu.wait_dma2 semaphore(%run_scoped3A : memref<!tpu.dma_semaphore, #tpu.memory_space<semaphore_mem>>) src(%dma_wait3A_107 : memref<12544xi32, #tpu.memory_space<vmem>>) dst(%dma_wait3A_105 : memref<12544xi32, #tpu.memory_space<hbm>>)
      tpu.yield
    }) : () -> ()
    "tpu.region"() ({
      %run_scoped3A = tpu.sem_alloc : memref<!tpu.dma_semaphore, #tpu.memory_space<semaphore_mem>>
      %dma_start3A = arith.constant 0 : i32
      %dma_start3A_98 = tpu.memref_slice %arg14[%dma_start3A] : memref<12560xi32, #tpu.memory_space<vmem>> -> memref<12544xi32, #tpu.memory_space<vmem>>
      %dma_start3A_99 = tpu.memref_slice %arg6[%mul3A_24] : memref<1605632xi32, #tpu.memory_space<hbm>> -> memref<12544xi32, #tpu.memory_space<hbm>>
      %dma_start3A_100 = tpu.memref_slice %arg6[%mul3A_24] : memref<1605632xi32, #tpu.memory_space<hbm>> -> memref<12544xi32, #tpu.memory_space<hbm>>
      %dma_start3A_101 = arith.constant 0 : i32
      %dma_start3A_102 = tpu.memref_slice %arg14[%dma_start3A_101] : memref<12560xi32, #tpu.memory_space<vmem>> -> memref<12544xi32, #tpu.memory_space<vmem>>
      tpu.enqueue_dma source(%dma_start3A_102 : memref<12544xi32, #tpu.memory_space<vmem>>) target(%dma_start3A_100 : memref<12544xi32, #tpu.memory_space<hbm>>) target_semaphore(%run_scoped3A : memref<!tpu.dma_semaphore, #tpu.memory_space<semaphore_mem>>)
      %dma_wait3A = arith.constant 0 : i32
      %dma_wait3A_103 = tpu.memref_slice %arg14[%dma_wait3A] : memref<12560xi32, #tpu.memory_space<vmem>> -> memref<12544xi32, #tpu.memory_space<vmem>>
      %dma_wait3A_104 = tpu.memref_slice %arg6[%mul3A_24] : memref<1605632xi32, #tpu.memory_space<hbm>> -> memref<12544xi32, #tpu.memory_space<hbm>>
      %dma_wait3A_105 = tpu.memref_slice %arg6[%mul3A_24] : memref<1605632xi32, #tpu.memory_space<hbm>> -> memref<12544xi32, #tpu.memory_space<hbm>>
      %dma_wait3A_106 = arith.constant 0 : i32
      %dma_wait3A_107 = tpu.memref_slice %arg14[%dma_wait3A_106] : memref<12560xi32, #tpu.memory_space<vmem>> -> memref<12544xi32, #tpu.memory_space<vmem>>
      tpu.wait_dma2 semaphore(%run_scoped3A : memref<!tpu.dma_semaphore, #tpu.memory_space<semaphore_mem>>) src(%dma_wait3A_107 : memref<12544xi32, #tpu.memory_space<vmem>>) dst(%dma_wait3A_105 : memref<12544xi32, #tpu.memory_space<hbm>>)
      tpu.yield
    }) : () -> ()
    "tpu.region"() ({
      %run_scoped3A = tpu.sem_alloc : memref<!tpu.dma_semaphore, #tpu.memory_space<semaphore_mem>>
      %dma_start3A = arith.constant 0 : i32
      %dma_start3A_98 = tpu.memref_slice %arg16[%dma_start3A] : memref<12560xf32, #tpu.memory_space<vmem>> -> memref<12544xf32, #tpu.memory_space<vmem>>
      %dma_start3A_99 = tpu.memref_slice %arg7[%mul3A_24] : memref<1605632xf32, #tpu.memory_space<hbm>> -> memref<12544xf32, #tpu.memory_space<hbm>>
      %dma_start3A_100 = tpu.memref_slice %arg7[%mul3A_24] : memref<1605632xf32, #tpu.memory_space<hbm>> -> memref<12544xf32, #tpu.memory_space<hbm>>
      %dma_start3A_101 = arith.constant 0 : i32
      %dma_start3A_102 = tpu.memref_slice %arg16[%dma_start3A_101] : memref<12560xf32, #tpu.memory_space<vmem>> -> memref<12544xf32, #tpu.memory_space<vmem>>
      tpu.enqueue_dma source(%dma_start3A_102 : memref<12544xf32, #tpu.memory_space<vmem>>) target(%dma_start3A_100 : memref<12544xf32, #tpu.memory_space<hbm>>) target_semaphore(%run_scoped3A : memref<!tpu.dma_semaphore, #tpu.memory_space<semaphore_mem>>)
      %dma_wait3A = arith.constant 0 : i32
      %dma_wait3A_103 = tpu.memref_slice %arg16[%dma_wait3A] : memref<12560xf32, #tpu.memory_space<vmem>> -> memref<12544xf32, #tpu.memory_space<vmem>>
      %dma_wait3A_104 = tpu.memref_slice %arg7[%mul3A_24] : memref<1605632xf32, #tpu.memory_space<hbm>> -> memref<12544xf32, #tpu.memory_space<hbm>>
      %dma_wait3A_105 = tpu.memref_slice %arg7[%mul3A_24] : memref<1605632xf32, #tpu.memory_space<hbm>> -> memref<12544xf32, #tpu.memory_space<hbm>>
      %dma_wait3A_106 = arith.constant 0 : i32
      %dma_wait3A_107 = tpu.memref_slice %arg16[%dma_wait3A_106] : memref<12560xf32, #tpu.memory_space<vmem>> -> memref<12544xf32, #tpu.memory_space<vmem>>
      tpu.wait_dma2 semaphore(%run_scoped3A : memref<!tpu.dma_semaphore, #tpu.memory_space<semaphore_mem>>) src(%dma_wait3A_107 : memref<12544xf32, #tpu.memory_space<vmem>>) dst(%dma_wait3A_105 : memref<12544xf32, #tpu.memory_space<hbm>>)
      tpu.yield
    }) : () -> ()
    %broadcast_in_dim3A_25 = arith.constant 0 : i32
    %broadcast_in_dim3A_26 = vector.broadcast %broadcast_in_dim3A_25 : i32 to vector<16xi32>
    %add3A_27 = vector.broadcast %scan3A_19#0 : i32 to vector<16xi32>
    %add3A_28 = arith.addi %broadcast_in_dim3A_26, %add3A_27 : vector<16xi32>
    %swap3A = arith.constant 0 : index
    %swap3A_29 = tpu.vector_load %arg18[%swap3A] {strides = array<i32>} : memref<16xi32, #tpu.memory_space<vmem>>, vector<16xi32>,
    tpu.vector_store %arg18[%swap3A], %add3A_28 {strides = array<i32>} : memref<16xi32, #tpu.memory_space<vmem>>, vector<16xi32>,
    %add3A_30 = arith.constant 0 : i32
    %add3A_31 = arith.addi %add3A_30, %add3A_2 : i32
    %mul3A_32 = arith.constant 16 : i32
    %mul3A_33 = arith.muli %add3A_31, %mul3A_32 : i32
    "tpu.region"() ({
      %run_scoped3A = tpu.sem_alloc : memref<!tpu.dma_semaphore, #tpu.memory_space<semaphore_mem>>
      %dma_start3A = tpu.memref_slice %arg8[%mul3A_33] : memref<2048xi32, #tpu.memory_space<hbm>> -> memref<16xi32, #tpu.memory_space<hbm>>
      %dma_start3A_98 = tpu.memref_slice %arg8[%mul3A_33] : memref<2048xi32, #tpu.memory_space<hbm>> -> memref<16xi32, #tpu.memory_space<hbm>>
      tpu.enqueue_dma source(%arg18 : memref<16xi32, #tpu.memory_space<vmem>>) target(%dma_start3A_98 : memref<16xi32, #tpu.memory_space<hbm>>) target_semaphore(%run_scoped3A : memref<!tpu.dma_semaphore, #tpu.memory_space<semaphore_mem>>)
      %dma_wait3A = tpu.memref_slice %arg8[%mul3A_33] : memref<2048xi32, #tpu.memory_space<hbm>> -> memref<16xi32, #tpu.memory_space<hbm>>
      %dma_wait3A_99 = tpu.memref_slice %arg8[%mul3A_33] : memref<2048xi32, #tpu.memory_space<hbm>> -> memref<16xi32, #tpu.memory_space<hbm>>
      tpu.wait_dma2 semaphore(%run_scoped3A : memref<!tpu.dma_semaphore, #tpu.memory_space<semaphore_mem>>) src(%arg18 : memref<16xi32, #tpu.memory_space<vmem>>) dst(%dma_wait3A_99 : memref<16xi32, #tpu.memory_space<hbm>>)
      tpu.yield
    }) : () -> ()
    %add3A_34 = arith.constant 64 : i32
    %add3A_35 = arith.addi %add3A_34, %add3A_2 : i32
    %mul3A_36 = arith.constant 12544 : i32
    %mul3A_37 = arith.muli %add3A_35, %mul3A_36 : i32
    "tpu.region"() ({
      %run_scoped3A = tpu.sem_alloc : memref<!tpu.dma_semaphore, #tpu.memory_space<semaphore_mem>>
      %dma_start3A = arith.constant 0 : i32
      %dma_start3A_98 = tpu.memref_slice %arg13[%dma_start3A] : memref<12560xi32, #tpu.memory_space<vmem>> -> memref<12544xi32, #tpu.memory_space<vmem>>
      %dma_start3A_99 = tpu.memref_slice %arg5[%mul3A_37] : memref<1605632xi32, #tpu.memory_space<hbm>> -> memref<12544xi32, #tpu.memory_space<hbm>>
      %dma_start3A_100 = tpu.memref_slice %arg5[%mul3A_37] : memref<1605632xi32, #tpu.memory_space<hbm>> -> memref<12544xi32, #tpu.memory_space<hbm>>
      %dma_start3A_101 = arith.constant 0 : i32
      %dma_start3A_102 = tpu.memref_slice %arg13[%dma_start3A_101] : memref<12560xi32, #tpu.memory_space<vmem>> -> memref<12544xi32, #tpu.memory_space<vmem>>
      tpu.enqueue_dma source(%dma_start3A_102 : memref<12544xi32, #tpu.memory_space<vmem>>) target(%dma_start3A_100 : memref<12544xi32, #tpu.memory_space<hbm>>) target_semaphore(%run_scoped3A : memref<!tpu.dma_semaphore, #tpu.memory_space<semaphore_mem>>)
      %dma_wait3A = arith.constant 0 : i32
      %dma_wait3A_103 = tpu.memref_slice %arg13[%dma_wait3A] : memref<12560xi32, #tpu.memory_space<vmem>> -> memref<12544xi32, #tpu.memory_space<vmem>>
      %dma_wait3A_104 = tpu.memref_slice %arg5[%mul3A_37] : memref<1605632xi32, #tpu.memory_space<hbm>> -> memref<12544xi32, #tpu.memory_space<hbm>>
      %dma_wait3A_105 = tpu.memref_slice %arg5[%mul3A_37] : memref<1605632xi32, #tpu.memory_space<hbm>> -> memref<12544xi32, #tpu.memory_space<hbm>>
      %dma_wait3A_106 = arith.constant 0 : i32
      %dma_wait3A_107 = tpu.memref_slice %arg13[%dma_wait3A_106] : memref<12560xi32, #tpu.memory_space<vmem>> -> memref<12544xi32, #tpu.memory_space<vmem>>
      tpu.wait_dma2 semaphore(%run_scoped3A : memref<!tpu.dma_semaphore, #tpu.memory_space<semaphore_mem>>) src(%dma_wait3A_107 : memref<12544xi32, #tpu.memory_space<vmem>>) dst(%dma_wait3A_105 : memref<12544xi32, #tpu.memory_space<hbm>>)
      tpu.yield
    }) : () -> ()
    "tpu.region"() ({
      %run_scoped3A = tpu.sem_alloc : memref<!tpu.dma_semaphore, #tpu.memory_space<semaphore_mem>>
      %dma_start3A = arith.constant 0 : i32
      %dma_start3A_98 = tpu.memref_slice %arg15[%dma_start3A] : memref<12560xi32, #tpu.memory_space<vmem>> -> memref<12544xi32, #tpu.memory_space<vmem>>
      %dma_start3A_99 = tpu.memref_slice %arg6[%mul3A_37] : memref<1605632xi32, #tpu.memory_space<hbm>> -> memref<12544xi32, #tpu.memory_space<hbm>>
      %dma_start3A_100 = tpu.memref_slice %arg6[%mul3A_37] : memref<1605632xi32, #tpu.memory_space<hbm>> -> memref<12544xi32, #tpu.memory_space<hbm>>
      %dma_start3A_101 = arith.constant 0 : i32
      %dma_start3A_102 = tpu.memref_slice %arg15[%dma_start3A_101] : memref<12560xi32, #tpu.memory_space<vmem>> -> memref<12544xi32, #tpu.memory_space<vmem>>
      tpu.enqueue_dma source(%dma_start3A_102 : memref<12544xi32, #tpu.memory_space<vmem>>) target(%dma_start3A_100 : memref<12544xi32, #tpu.memory_space<hbm>>) target_semaphore(%run_scoped3A : memref<!tpu.dma_semaphore, #tpu.memory_space<semaphore_mem>>)
      %dma_wait3A = arith.constant 0 : i32
      %dma_wait3A_103 = tpu.memref_slice %arg15[%dma_wait3A] : memref<12560xi32, #tpu.memory_space<vmem>> -> memref<12544xi32, #tpu.memory_space<vmem>>
      %dma_wait3A_104 = tpu.memref_slice %arg6[%mul3A_37] : memref<1605632xi32, #tpu.memory_space<hbm>> -> memref<12544xi32, #tpu.memory_space<hbm>>
      %dma_wait3A_105 = tpu.memref_slice %arg6[%mul3A_37] : memref<1605632xi32, #tpu.memory_space<hbm>> -> memref<12544xi32, #tpu.memory_space<hbm>>
      %dma_wait3A_106 = arith.constant 0 : i32
      %dma_wait3A_107 = tpu.memref_slice %arg15[%dma_wait3A_106] : memref<12560xi32, #tpu.memory_space<vmem>> -> memref<12544xi32, #tpu.memory_space<vmem>>
      tpu.wait_dma2 semaphore(%run_scoped3A : memref<!tpu.dma_semaphore, #tpu.memory_space<semaphore_mem>>) src(%dma_wait3A_107 : memref<12544xi32, #tpu.memory_space<vmem>>) dst(%dma_wait3A_105 : memref<12544xi32, #tpu.memory_space<hbm>>)
      tpu.yield
    }) : () -> ()
    "tpu.region"() ({
      %run_scoped3A = tpu.sem_alloc : memref<!tpu.dma_semaphore, #tpu.memory_space<semaphore_mem>>
      %dma_start3A = arith.constant 0 : i32
      %dma_start3A_98 = tpu.memref_slice %arg17[%dma_start3A] : memref<12560xf32, #tpu.memory_space<vmem>> -> memref<12544xf32, #tpu.memory_space<vmem>>
      %dma_start3A_99 = tpu.memref_slice %arg7[%mul3A_37] : memref<1605632xf32, #tpu.memory_space<hbm>> -> memref<12544xf32, #tpu.memory_space<hbm>>
      %dma_start3A_100 = tpu.memref_slice %arg7[%mul3A_37] : memref<1605632xf32, #tpu.memory_space<hbm>> -> memref<12544xf32, #tpu.memory_space<hbm>>
      %dma_start3A_101 = arith.constant 0 : i32
      %dma_start3A_102 = tpu.memref_slice %arg17[%dma_start3A_101] : memref<12560xf32, #tpu.memory_space<vmem>> -> memref<12544xf32, #tpu.memory_space<vmem>>
      tpu.enqueue_dma source(%dma_start3A_102 : memref<12544xf32, #tpu.memory_space<vmem>>) target(%dma_start3A_100 : memref<12544xf32, #tpu.memory_space<hbm>>) target_semaphore(%run_scoped3A : memref<!tpu.dma_semaphore, #tpu.memory_space<semaphore_mem>>)
      %dma_wait3A = arith.constant 0 : i32
      %dma_wait3A_103 = tpu.memref_slice %arg17[%dma_wait3A] : memref<12560xf32, #tpu.memory_space<vmem>> -> memref<12544xf32, #tpu.memory_space<vmem>>
      %dma_wait3A_104 = tpu.memref_slice %arg7[%mul3A_37] : memref<1605632xf32, #tpu.memory_space<hbm>> -> memref<12544xf32, #tpu.memory_space<hbm>>
      %dma_wait3A_105 = tpu.memref_slice %arg7[%mul3A_37] : memref<1605632xf32, #tpu.memory_space<hbm>> -> memref<12544xf32, #tpu.memory_space<hbm>>
      %dma_wait3A_106 = arith.constant 0 : i32
      %dma_wait3A_107 = tpu.memref_slice %arg17[%dma_wait3A_106] : memref<12560xf32, #tpu.memory_space<vmem>> -> memref<12544xf32, #tpu.memory_space<vmem>>
      tpu.wait_dma2 semaphore(%run_scoped3A : memref<!tpu.dma_semaphore, #tpu.memory_space<semaphore_mem>>) src(%dma_wait3A_107 : memref<12544xf32, #tpu.memory_space<vmem>>) dst(%dma_wait3A_105 : memref<12544xf32, #tpu.memory_space<hbm>>)
      tpu.yield
    }) : () -> ()
    %broadcast_in_dim3A_38 = arith.constant 0 : i32
    %broadcast_in_dim3A_39 = vector.broadcast %broadcast_in_dim3A_38 : i32 to vector<16xi32>
    %add3A_40 = vector.broadcast %scan3A_19#1 : i32 to vector<16xi32>
    %add3A_41 = arith.addi %broadcast_in_dim3A_39, %add3A_40 : vector<16xi32>
    %swap3A_42 = arith.constant 0 : index
    %swap3A_43 = tpu.vector_load %arg18[%swap3A_42] {strides = array<i32>} : memref<16xi32, #tpu.memory_space<vmem>>, vector<16xi32>,
    tpu.vector_store %arg18[%swap3A_42], %add3A_41 {strides = array<i32>} : memref<16xi32, #tpu.memory_space<vmem>>, vector<16xi32>,
    %add3A_44 = arith.constant 64 : i32
    %add3A_45 = arith.addi %add3A_44, %add3A_2 : i32
    %mul3A_46 = arith.constant 16 : i32
    %mul3A_47 = arith.muli %add3A_45, %mul3A_46 : i32
    "tpu.region"() ({
      %run_scoped3A = tpu.sem_alloc : memref<!tpu.dma_semaphore, #tpu.memory_space<semaphore_mem>>
      %dma_start3A = tpu.memref_slice %arg8[%mul3A_47] : memref<2048xi32, #tpu.memory_space<hbm>> -> memref<16xi32, #tpu.memory_space<hbm>>
      %dma_start3A_98 = tpu.memref_slice %arg8[%mul3A_47] : memref<2048xi32, #tpu.memory_space<hbm>> -> memref<16xi32, #tpu.memory_space<hbm>>
      tpu.enqueue_dma source(%arg18 : memref<16xi32, #tpu.memory_space<vmem>>) target(%dma_start3A_98 : memref<16xi32, #tpu.memory_space<hbm>>) target_semaphore(%run_scoped3A : memref<!tpu.dma_semaphore, #tpu.memory_space<semaphore_mem>>)
      %dma_wait3A = tpu.memref_slice %arg8[%mul3A_47] : memref<2048xi32, #tpu.memory_space<hbm>> -> memref<16xi32, #tpu.memory_space<hbm>>
      %dma_wait3A_99 = tpu.memref_slice %arg8[%mul3A_47] : memref<2048xi32, #tpu.memory_space<hbm>> -> memref<16xi32, #tpu.memory_space<hbm>>
      tpu.wait_dma2 semaphore(%run_scoped3A : memref<!tpu.dma_semaphore, #tpu.memory_space<semaphore_mem>>) src(%arg18 : memref<16xi32, #tpu.memory_space<vmem>>) dst(%dma_wait3A_99 : memref<16xi32, #tpu.memory_space<hbm>>)
      tpu.yield
    }) : () -> ()
    %add3A_48 = arith.constant 32 : i32
    %add3A_49 = arith.addi %add3A, %add3A_48 : i32
    %mul3A_50 = arith.constant 12512 : i32
    %mul3A_51 = arith.muli %add3A_49, %mul3A_50 : i32
    "tpu.region"() ({
      %run_scoped3A = tpu.sem_alloc : memref<!tpu.dma_semaphore, #tpu.memory_space<semaphore_mem>>
      %dma_start3A = tpu.memref_slice %arg2[%mul3A_51] : memref<800768xi32, #tpu.memory_space<hbm>> -> memref<12512xi32, #tpu.memory_space<hbm>>
      %dma_start3A_98 = tpu.memref_slice %arg2[%mul3A_51] : memref<800768xi32, #tpu.memory_space<hbm>> -> memref<12512xi32, #tpu.memory_space<hbm>>
      tpu.enqueue_dma source(%dma_start3A_98 : memref<12512xi32, #tpu.memory_space<hbm>>) target(%arg9 : memref<12512xi32, #tpu.memory_space<vmem>>) target_semaphore(%run_scoped3A : memref<!tpu.dma_semaphore, #tpu.memory_space<semaphore_mem>>)
      %dma_wait3A = tpu.memref_slice %arg2[%mul3A_51] : memref<800768xi32, #tpu.memory_space<hbm>> -> memref<12512xi32, #tpu.memory_space<hbm>>
      %dma_wait3A_99 = tpu.memref_slice %arg2[%mul3A_51] : memref<800768xi32, #tpu.memory_space<hbm>> -> memref<12512xi32, #tpu.memory_space<hbm>>
      tpu.wait_dma2 semaphore(%run_scoped3A : memref<!tpu.dma_semaphore, #tpu.memory_space<semaphore_mem>>) src(%dma_wait3A_99 : memref<12512xi32, #tpu.memory_space<hbm>>) dst(%arg9 : memref<12512xi32, #tpu.memory_space<vmem>>)
      tpu.yield
    }) : () -> ()
    "tpu.region"() ({
      %run_scoped3A = tpu.sem_alloc : memref<!tpu.dma_semaphore, #tpu.memory_space<semaphore_mem>>
      %dma_start3A = tpu.memref_slice %arg3[%mul3A_51] : memref<800768xi32, #tpu.memory_space<hbm>> -> memref<12512xi32, #tpu.memory_space<hbm>>
      %dma_start3A_98 = tpu.memref_slice %arg3[%mul3A_51] : memref<800768xi32, #tpu.memory_space<hbm>> -> memref<12512xi32, #tpu.memory_space<hbm>>
      tpu.enqueue_dma source(%dma_start3A_98 : memref<12512xi32, #tpu.memory_space<hbm>>) target(%arg10 : memref<12512xi32, #tpu.memory_space<vmem>>) target_semaphore(%run_scoped3A : memref<!tpu.dma_semaphore, #tpu.memory_space<semaphore_mem>>)
      %dma_wait3A = tpu.memref_slice %arg3[%mul3A_51] : memref<800768xi32, #tpu.memory_space<hbm>> -> memref<12512xi32, #tpu.memory_space<hbm>>
      %dma_wait3A_99 = tpu.memref_slice %arg3[%mul3A_51] : memref<800768xi32, #tpu.memory_space<hbm>> -> memref<12512xi32, #tpu.memory_space<hbm>>
      tpu.wait_dma2 semaphore(%run_scoped3A : memref<!tpu.dma_semaphore, #tpu.memory_space<semaphore_mem>>) src(%dma_wait3A_99 : memref<12512xi32, #tpu.memory_space<hbm>>) dst(%arg10 : memref<12512xi32, #tpu.memory_space<vmem>>)
      tpu.yield
    }) : () -> ()
    "tpu.region"() ({
      %run_scoped3A = tpu.sem_alloc : memref<!tpu.dma_semaphore, #tpu.memory_space<semaphore_mem>>
      %dma_start3A = tpu.memref_slice %arg4[%mul3A_51] : memref<800768xf32, #tpu.memory_space<hbm>> -> memref<12512xf32, #tpu.memory_space<hbm>>
      %dma_start3A_98 = tpu.memref_slice %arg4[%mul3A_51] : memref<800768xf32, #tpu.memory_space<hbm>> -> memref<12512xf32, #tpu.memory_space<hbm>>
      tpu.enqueue_dma source(%dma_start3A_98 : memref<12512xf32, #tpu.memory_space<hbm>>) target(%arg11 : memref<12512xf32, #tpu.memory_space<vmem>>) target_semaphore(%run_scoped3A : memref<!tpu.dma_semaphore, #tpu.memory_space<semaphore_mem>>)
      %dma_wait3A = tpu.memref_slice %arg4[%mul3A_51] : memref<800768xf32, #tpu.memory_space<hbm>> -> memref<12512xf32, #tpu.memory_space<hbm>>
      %dma_wait3A_99 = tpu.memref_slice %arg4[%mul3A_51] : memref<800768xf32, #tpu.memory_space<hbm>> -> memref<12512xf32, #tpu.memory_space<hbm>>
      tpu.wait_dma2 semaphore(%run_scoped3A : memref<!tpu.dma_semaphore, #tpu.memory_space<semaphore_mem>>) src(%dma_wait3A_99 : memref<12512xf32, #tpu.memory_space<hbm>>) dst(%arg11 : memref<12512xf32, #tpu.memory_space<vmem>>)
      tpu.yield
    }) : () -> ()
    %broadcast_in_dim3A_52 = arith.constant 0 : i32
    %broadcast_in_dim3A_53 = vector.broadcast %broadcast_in_dim3A_52 : i32 to vector<16xi32>
    %broadcast_in_dim3A_54 = arith.constant 0.000000e+00 : f32
    %broadcast_in_dim3A_55 = vector.broadcast %broadcast_in_dim3A_54 : f32 to vector<16xf32>
    %scan3A_56 = arith.constant 0 : i32
    %scan3A_57 = arith.constant 0 : i32
    %scan3A_58 = arith.constant 785 : i32
    %scan3A_59 = arith.addi %scan3A_57, %scan3A_58 : i32
    %scan3A_60 = arith.constant 1 : i32
    scf.for %scan3A_98 = %scan3A_57 to %scan3A_59 step %scan3A_60  : i32 {
      %mul3A_99 = arith.constant 16 : i32
      %mul3A_100 = arith.muli %scan3A_98, %mul3A_99 : i32
      %swap3A_101 = arith.index_cast %mul3A_100 : i32 to index
      %swap3A_102 = tpu.vector_load %arg12[%swap3A_101] {strides = array<i32>} : memref<12560xi32, #tpu.memory_space<vmem>>, vector<16xi32>,
      tpu.vector_store %arg12[%swap3A_101], %broadcast_in_dim3A_53 {strides = array<i32>} : memref<12560xi32, #tpu.memory_space<vmem>>, vector<16xi32>,
      %swap3A_103 = arith.index_cast %mul3A_100 : i32 to index
      %swap3A_104 = tpu.vector_load %arg14[%swap3A_103] {strides = array<i32>} : memref<12560xi32, #tpu.memory_space<vmem>>, vector<16xi32>,
      tpu.vector_store %arg14[%swap3A_103], %broadcast_in_dim3A_53 {strides = array<i32>} : memref<12560xi32, #tpu.memory_space<vmem>>, vector<16xi32>,
      %swap3A_105 = arith.index_cast %mul3A_100 : i32 to index
      %swap3A_106 = tpu.vector_load %arg16[%swap3A_105] {strides = array<i32>} : memref<12560xf32, #tpu.memory_space<vmem>>, vector<16xf32>,
      tpu.vector_store %arg16[%swap3A_105], %broadcast_in_dim3A_55 {strides = array<i32>} : memref<12560xf32, #tpu.memory_space<vmem>>, vector<16xf32>,
      %swap3A_107 = arith.index_cast %mul3A_100 : i32 to index
      %swap3A_108 = tpu.vector_load %arg13[%swap3A_107] {strides = array<i32>} : memref<12560xi32, #tpu.memory_space<vmem>>, vector<16xi32>,
      tpu.vector_store %arg13[%swap3A_107], %broadcast_in_dim3A_53 {strides = array<i32>} : memref<12560xi32, #tpu.memory_space<vmem>>, vector<16xi32>,
      %swap3A_109 = arith.index_cast %mul3A_100 : i32 to index
      %swap3A_110 = tpu.vector_load %arg15[%swap3A_109] {strides = array<i32>} : memref<12560xi32, #tpu.memory_space<vmem>>, vector<16xi32>,
      tpu.vector_store %arg15[%swap3A_109], %broadcast_in_dim3A_53 {strides = array<i32>} : memref<12560xi32, #tpu.memory_space<vmem>>, vector<16xi32>,
      %swap3A_111 = arith.index_cast %mul3A_100 : i32 to index
      %swap3A_112 = tpu.vector_load %arg17[%swap3A_111] {strides = array<i32>} : memref<12560xf32, #tpu.memory_space<vmem>>, vector<16xf32>,
      tpu.vector_store %arg17[%swap3A_111], %broadcast_in_dim3A_55 {strides = array<i32>} : memref<12560xf32, #tpu.memory_space<vmem>>, vector<16xf32>,
    }
    %scan3A_61 = arith.constant 785 : i32
    %scan3A_62 = arith.constant 0 : i32
    %scan3A_63 = arith.constant 0 : i32
    %scan3A_64 = arith.constant 0 : i32
    %scan3A_65 = arith.constant 782 : i32
    %scan3A_66 = arith.addi %scan3A_64, %scan3A_65 : i32
    %scan3A_67 = arith.constant 1 : i32
    %scan3A_68:2 = scf.for %scan3A_98 = %scan3A_64 to %scan3A_66 step %scan3A_67 iter_args(%scan3A_99 = %scan3A_62, %scan3A_100 = %scan3A_63) -> (i32, i32)  : i32 {
      %mul3A_101 = arith.constant 16 : i32
      %mul3A_102 = arith.muli %scan3A_98, %mul3A_101 : i32
      %get3A = arith.index_cast %mul3A_102 : i32 to index
      %get3A_103 = tpu.vector_load %arg9[%get3A] {strides = array<i32>} : memref<12512xi32, #tpu.memory_space<vmem>>, vector<16xi32>,
      %get3A_104 = arith.index_cast %mul3A_102 : i32 to index
      %get3A_105 = tpu.vector_load %arg10[%get3A_104] {strides = array<i32>} : memref<12512xi32, #tpu.memory_space<vmem>>, vector<16xi32>,
      %get3A_106 = arith.index_cast %mul3A_102 : i32 to index
      %get3A_107 = tpu.vector_load %arg11[%get3A_106] {strides = array<i32>} : memref<12512xf32, #tpu.memory_space<vmem>>, vector<16xf32>,
      %iota3A = tpu.iota {dimensions = array<i32: 0>} : vector<16xi32>
      %sub3A = arith.constant 0 : i32
      %sub3A_108 = vector.broadcast %sub3A : i32 to vector<16xi32>
      %sub3A_109 = arith.subi %get3A_105, %sub3A_108 : vector<16xi32>
      %ge3A = arith.constant 0 : i32
      %ge3A_110 = vector.broadcast %ge3A : i32 to vector<16xi32>
      %ge3A_111 = arith.cmpi sge, %sub3A_109, %ge3A_110 : vector<16xi32>
      %lt3A = arith.constant 25000 : i32
      %lt3A_112 = vector.broadcast %lt3A : i32 to vector<16xi32>
      %lt3A_113 = arith.cmpi slt, %sub3A_109, %lt3A_112 : vector<16xi32>
      %and3A = arith.andi %ge3A_111, %lt3A_113 : vector<16xi1>
      %broadcast_in_dim3A_114 = arith.constant 1 : i32
      %broadcast_in_dim3A_115 = vector.broadcast %broadcast_in_dim3A_114 : i32 to vector<16xi32>
      %broadcast_in_dim3A_116 = arith.constant 0 : i32
      %broadcast_in_dim3A_117 = vector.broadcast %broadcast_in_dim3A_116 : i32 to vector<16xi32>
      %select_n3A = arith.select %and3A, %broadcast_in_dim3A_115, %broadcast_in_dim3A_117 : vector<16xi1>, vector<16xi32>
      %sub3A_118 = arith.constant 1 : i32
      %sub3A_119 = vector.broadcast %sub3A_118 : i32 to vector<16xi32>
      %sub3A_120 = arith.subi %iota3A, %sub3A_119 : vector<16xi32>
      %max3A = arith.constant 0 : i32
      %max3A_121 = vector.broadcast %max3A : i32 to vector<16xi32>
      %max3A_122 = arith.maxsi %sub3A_120, %max3A_121 : vector<16xi32>
      %lt3A_123 = arith.constant 0 : i32
      %lt3A_124 = vector.broadcast %lt3A_123 : i32 to vector<16xi32>
      %lt3A_125 = arith.cmpi slt, %max3A_122, %lt3A_124 : vector<16xi32>
      %add3A_126 = arith.constant 16 : i32
      %add3A_127 = vector.broadcast %add3A_126 : i32 to vector<16xi32>
      %add3A_128 = arith.addi %max3A_122, %add3A_127 : vector<16xi32>
      %select_n3A_129 = arith.select %lt3A_125, %add3A_128, %max3A_122 : vector<16xi1>, vector<16xi32>
      %broadcast_in_dim3A_130 = vector.shape_cast %select_n3A_129 : vector<16xi32> to vector<16x1xi32>
      %gather3A = vector.shape_cast %broadcast_in_dim3A_130 : vector<16x1xi32> to vector<16xi32>
      %gather3A_131 = tpu.dynamic_gather %select_n3A[%gather3A] in [0] : vector<16xi32>, vector<16xi32> -> vector<16xi32>
      %ge3A_132 = arith.constant 1 : i32
      %ge3A_133 = vector.broadcast %ge3A_132 : i32 to vector<16xi32>
      %ge3A_134 = arith.cmpi sge, %iota3A, %ge3A_133 : vector<16xi32>
      %broadcast_in_dim3A_135 = arith.constant 0 : i32
      %broadcast_in_dim3A_136 = vector.broadcast %broadcast_in_dim3A_135 : i32 to vector<16xi32>
      %select_n3A_137 = arith.select %ge3A_134, %gather3A_131, %broadcast_in_dim3A_136 : vector<16xi1>, vector<16xi32>
      %add3A_138 = arith.addi %select_n3A, %select_n3A_137 : vector<16xi32>
      %sub3A_139 = arith.constant 2 : i32
      %sub3A_140 = vector.broadcast %sub3A_139 : i32 to vector<16xi32>
      %sub3A_141 = arith.subi %iota3A, %sub3A_140 : vector<16xi32>
      %max3A_142 = arith.constant 0 : i32
      %max3A_143 = vector.broadcast %max3A_142 : i32 to vector<16xi32>
      %max3A_144 = arith.maxsi %sub3A_141, %max3A_143 : vector<16xi32>
      %lt3A_145 = arith.constant 0 : i32
      %lt3A_146 = vector.broadcast %lt3A_145 : i32 to vector<16xi32>
      %lt3A_147 = arith.cmpi slt, %max3A_144, %lt3A_146 : vector<16xi32>
      %add3A_148 = arith.constant 16 : i32
      %add3A_149 = vector.broadcast %add3A_148 : i32 to vector<16xi32>
      %add3A_150 = arith.addi %max3A_144, %add3A_149 : vector<16xi32>
      %select_n3A_151 = arith.select %lt3A_147, %add3A_150, %max3A_144 : vector<16xi1>, vector<16xi32>
      %broadcast_in_dim3A_152 = vector.shape_cast %select_n3A_151 : vector<16xi32> to vector<16x1xi32>
      %gather3A_153 = vector.shape_cast %broadcast_in_dim3A_152 : vector<16x1xi32> to vector<16xi32>
      %gather3A_154 = tpu.dynamic_gather %add3A_138[%gather3A_153] in [0] : vector<16xi32>, vector<16xi32> -> vector<16xi32>
      %ge3A_155 = arith.constant 2 : i32
      %ge3A_156 = vector.broadcast %ge3A_155 : i32 to vector<16xi32>
      %ge3A_157 = arith.cmpi sge, %iota3A, %ge3A_156 : vector<16xi32>
      %broadcast_in_dim3A_158 = arith.constant 0 : i32
      %broadcast_in_dim3A_159 = vector.broadcast %broadcast_in_dim3A_158 : i32 to vector<16xi32>
      %select_n3A_160 = arith.select %ge3A_157, %gather3A_154, %broadcast_in_dim3A_159 : vector<16xi1>, vector<16xi32>
      %add3A_161 = arith.addi %add3A_138, %select_n3A_160 : vector<16xi32>
      %sub3A_162 = arith.constant 4 : i32
      %sub3A_163 = vector.broadcast %sub3A_162 : i32 to vector<16xi32>
      %sub3A_164 = arith.subi %iota3A, %sub3A_163 : vector<16xi32>
      %max3A_165 = arith.constant 0 : i32
      %max3A_166 = vector.broadcast %max3A_165 : i32 to vector<16xi32>
      %max3A_167 = arith.maxsi %sub3A_164, %max3A_166 : vector<16xi32>
      %lt3A_168 = arith.constant 0 : i32
      %lt3A_169 = vector.broadcast %lt3A_168 : i32 to vector<16xi32>
      %lt3A_170 = arith.cmpi slt, %max3A_167, %lt3A_169 : vector<16xi32>
      %add3A_171 = arith.constant 16 : i32
      %add3A_172 = vector.broadcast %add3A_171 : i32 to vector<16xi32>
      %add3A_173 = arith.addi %max3A_167, %add3A_172 : vector<16xi32>
      %select_n3A_174 = arith.select %lt3A_170, %add3A_173, %max3A_167 : vector<16xi1>, vector<16xi32>
      %broadcast_in_dim3A_175 = vector.shape_cast %select_n3A_174 : vector<16xi32> to vector<16x1xi32>
      %gather3A_176 = vector.shape_cast %broadcast_in_dim3A_175 : vector<16x1xi32> to vector<16xi32>
      %gather3A_177 = tpu.dynamic_gather %add3A_161[%gather3A_176] in [0] : vector<16xi32>, vector<16xi32> -> vector<16xi32>
      %ge3A_178 = arith.constant 4 : i32
      %ge3A_179 = vector.broadcast %ge3A_178 : i32 to vector<16xi32>
      %ge3A_180 = arith.cmpi sge, %iota3A, %ge3A_179 : vector<16xi32>
      %broadcast_in_dim3A_181 = arith.constant 0 : i32
      %broadcast_in_dim3A_182 = vector.broadcast %broadcast_in_dim3A_181 : i32 to vector<16xi32>
      %select_n3A_183 = arith.select %ge3A_180, %gather3A_177, %broadcast_in_dim3A_182 : vector<16xi1>, vector<16xi32>
      %add3A_184 = arith.addi %add3A_161, %select_n3A_183 : vector<16xi32>
      %sub3A_185 = arith.constant 8 : i32
      %sub3A_186 = vector.broadcast %sub3A_185 : i32 to vector<16xi32>
      %sub3A_187 = arith.subi %iota3A, %sub3A_186 : vector<16xi32>
      %max3A_188 = arith.constant 0 : i32
      %max3A_189 = vector.broadcast %max3A_188 : i32 to vector<16xi32>
      %max3A_190 = arith.maxsi %sub3A_187, %max3A_189 : vector<16xi32>
      %lt3A_191 = arith.constant 0 : i32
      %lt3A_192 = vector.broadcast %lt3A_191 : i32 to vector<16xi32>
      %lt3A_193 = arith.cmpi slt, %max3A_190, %lt3A_192 : vector<16xi32>
      %add3A_194 = arith.constant 16 : i32
      %add3A_195 = vector.broadcast %add3A_194 : i32 to vector<16xi32>
      %add3A_196 = arith.addi %max3A_190, %add3A_195 : vector<16xi32>
      %select_n3A_197 = arith.select %lt3A_193, %add3A_196, %max3A_190 : vector<16xi1>, vector<16xi32>
      %broadcast_in_dim3A_198 = vector.shape_cast %select_n3A_197 : vector<16xi32> to vector<16x1xi32>
      %gather3A_199 = vector.shape_cast %broadcast_in_dim3A_198 : vector<16x1xi32> to vector<16xi32>
      %gather3A_200 = tpu.dynamic_gather %add3A_184[%gather3A_199] in [0] : vector<16xi32>, vector<16xi32> -> vector<16xi32>
      %ge3A_201 = arith.constant 8 : i32
      %ge3A_202 = vector.broadcast %ge3A_201 : i32 to vector<16xi32>
      %ge3A_203 = arith.cmpi sge, %iota3A, %ge3A_202 : vector<16xi32>
      %broadcast_in_dim3A_204 = arith.constant 0 : i32
      %broadcast_in_dim3A_205 = vector.broadcast %broadcast_in_dim3A_204 : i32 to vector<16xi32>
      %select_n3A_206 = arith.select %ge3A_203, %gather3A_200, %broadcast_in_dim3A_205 : vector<16xi1>, vector<16xi32>
      %add3A_207 = arith.addi %add3A_184, %select_n3A_206 : vector<16xi32>
      %slice3A = vector.extract_strided_slice %add3A_207 {offsets = [15], sizes = [1], strides = [1]} : vector<16xi32> to vector<1xi32>
      %squeeze3A = vector.extract %slice3A[0] : i32 from vector<1xi32>
      %sub3A_208 = arith.subi %add3A_207, %select_n3A : vector<16xi32>
      %add3A_209 = vector.broadcast %scan3A_99 : i32 to vector<16xi32>
      %add3A_210 = arith.addi %add3A_209, %sub3A_208 : vector<16xi32>
      %jit3A = arith.constant 12544 : i32
      %broadcast_in_dim3A_211 = vector.broadcast %jit3A : i32 to vector<16xi32>
      %select_n3A_212 = arith.select %and3A, %add3A_210, %broadcast_in_dim3A_211 : vector<16xi1>, vector<16xi32>
      tpu.vector_store_idx %arg12[%select_n3A_212], %get3A_103 : memref<12560xi32, #tpu.memory_space<vmem>>[vector<16xi32>], vector<16xi32>,
      tpu.vector_store_idx %arg14[%select_n3A_212], %sub3A_109 : memref<12560xi32, #tpu.memory_space<vmem>>[vector<16xi32>], vector<16xi32>,
      tpu.vector_store_idx %arg16[%select_n3A_212], %get3A_107 : memref<12560xf32, #tpu.memory_space<vmem>>[vector<16xi32>], vector<16xf32>,
      %add3A_213 = arith.addi %scan3A_99, %squeeze3A : i32
      %sub3A_214 = arith.constant 25000 : i32
      %sub3A_215 = vector.broadcast %sub3A_214 : i32 to vector<16xi32>
      %sub3A_216 = arith.subi %get3A_105, %sub3A_215 : vector<16xi32>
      %ge3A_217 = arith.constant 0 : i32
      %ge3A_218 = vector.broadcast %ge3A_217 : i32 to vector<16xi32>
      %ge3A_219 = arith.cmpi sge, %sub3A_216, %ge3A_218 : vector<16xi32>
      %lt3A_220 = arith.constant 25000 : i32
      %lt3A_221 = vector.broadcast %lt3A_220 : i32 to vector<16xi32>
      %lt3A_222 = arith.cmpi slt, %sub3A_216, %lt3A_221 : vector<16xi32>
      %and3A_223 = arith.andi %ge3A_219, %lt3A_222 : vector<16xi1>
      %broadcast_in_dim3A_224 = arith.constant 1 : i32
      %broadcast_in_dim3A_225 = vector.broadcast %broadcast_in_dim3A_224 : i32 to vector<16xi32>
      %broadcast_in_dim3A_226 = arith.constant 0 : i32
      %broadcast_in_dim3A_227 = vector.broadcast %broadcast_in_dim3A_226 : i32 to vector<16xi32>
      %select_n3A_228 = arith.select %and3A_223, %broadcast_in_dim3A_225, %broadcast_in_dim3A_227 : vector<16xi1>, vector<16xi32>
      %sub3A_229 = arith.constant 1 : i32
      %sub3A_230 = vector.broadcast %sub3A_229 : i32 to vector<16xi32>
      %sub3A_231 = arith.subi %iota3A, %sub3A_230 : vector<16xi32>
      %max3A_232 = arith.constant 0 : i32
      %max3A_233 = vector.broadcast %max3A_232 : i32 to vector<16xi32>
      %max3A_234 = arith.maxsi %sub3A_231, %max3A_233 : vector<16xi32>
      %lt3A_235 = arith.constant 0 : i32
      %lt3A_236 = vector.broadcast %lt3A_235 : i32 to vector<16xi32>
      %lt3A_237 = arith.cmpi slt, %max3A_234, %lt3A_236 : vector<16xi32>
      %add3A_238 = arith.constant 16 : i32
      %add3A_239 = vector.broadcast %add3A_238 : i32 to vector<16xi32>
      %add3A_240 = arith.addi %max3A_234, %add3A_239 : vector<16xi32>
      %select_n3A_241 = arith.select %lt3A_237, %add3A_240, %max3A_234 : vector<16xi1>, vector<16xi32>
      %broadcast_in_dim3A_242 = vector.shape_cast %select_n3A_241 : vector<16xi32> to vector<16x1xi32>
      %gather3A_243 = vector.shape_cast %broadcast_in_dim3A_242 : vector<16x1xi32> to vector<16xi32>
      %gather3A_244 = tpu.dynamic_gather %select_n3A_228[%gather3A_243] in [0] : vector<16xi32>, vector<16xi32> -> vector<16xi32>
      %ge3A_245 = arith.constant 1 : i32
      %ge3A_246 = vector.broadcast %ge3A_245 : i32 to vector<16xi32>
      %ge3A_247 = arith.cmpi sge, %iota3A, %ge3A_246 : vector<16xi32>
      %broadcast_in_dim3A_248 = arith.constant 0 : i32
      %broadcast_in_dim3A_249 = vector.broadcast %broadcast_in_dim3A_248 : i32 to vector<16xi32>
      %select_n3A_250 = arith.select %ge3A_247, %gather3A_244, %broadcast_in_dim3A_249 : vector<16xi1>, vector<16xi32>
      %add3A_251 = arith.addi %select_n3A_228, %select_n3A_250 : vector<16xi32>
      %sub3A_252 = arith.constant 2 : i32
      %sub3A_253 = vector.broadcast %sub3A_252 : i32 to vector<16xi32>
      %sub3A_254 = arith.subi %iota3A, %sub3A_253 : vector<16xi32>
      %max3A_255 = arith.constant 0 : i32
      %max3A_256 = vector.broadcast %max3A_255 : i32 to vector<16xi32>
      %max3A_257 = arith.maxsi %sub3A_254, %max3A_256 : vector<16xi32>
      %lt3A_258 = arith.constant 0 : i32
      %lt3A_259 = vector.broadcast %lt3A_258 : i32 to vector<16xi32>
      %lt3A_260 = arith.cmpi slt, %max3A_257, %lt3A_259 : vector<16xi32>
      %add3A_261 = arith.constant 16 : i32
      %add3A_262 = vector.broadcast %add3A_261 : i32 to vector<16xi32>
      %add3A_263 = arith.addi %max3A_257, %add3A_262 : vector<16xi32>
      %select_n3A_264 = arith.select %lt3A_260, %add3A_263, %max3A_257 : vector<16xi1>, vector<16xi32>
      %broadcast_in_dim3A_265 = vector.shape_cast %select_n3A_264 : vector<16xi32> to vector<16x1xi32>
      %gather3A_266 = vector.shape_cast %broadcast_in_dim3A_265 : vector<16x1xi32> to vector<16xi32>
      %gather3A_267 = tpu.dynamic_gather %add3A_251[%gather3A_266] in [0] : vector<16xi32>, vector<16xi32> -> vector<16xi32>
      %ge3A_268 = arith.constant 2 : i32
      %ge3A_269 = vector.broadcast %ge3A_268 : i32 to vector<16xi32>
      %ge3A_270 = arith.cmpi sge, %iota3A, %ge3A_269 : vector<16xi32>
      %broadcast_in_dim3A_271 = arith.constant 0 : i32
      %broadcast_in_dim3A_272 = vector.broadcast %broadcast_in_dim3A_271 : i32 to vector<16xi32>
      %select_n3A_273 = arith.select %ge3A_270, %gather3A_267, %broadcast_in_dim3A_272 : vector<16xi1>, vector<16xi32>
      %add3A_274 = arith.addi %add3A_251, %select_n3A_273 : vector<16xi32>
      %sub3A_275 = arith.constant 4 : i32
      %sub3A_276 = vector.broadcast %sub3A_275 : i32 to vector<16xi32>
      %sub3A_277 = arith.subi %iota3A, %sub3A_276 : vector<16xi32>
      %max3A_278 = arith.constant 0 : i32
      %max3A_279 = vector.broadcast %max3A_278 : i32 to vector<16xi32>
      %max3A_280 = arith.maxsi %sub3A_277, %max3A_279 : vector<16xi32>
      %lt3A_281 = arith.constant 0 : i32
      %lt3A_282 = vector.broadcast %lt3A_281 : i32 to vector<16xi32>
      %lt3A_283 = arith.cmpi slt, %max3A_280, %lt3A_282 : vector<16xi32>
      %add3A_284 = arith.constant 16 : i32
      %add3A_285 = vector.broadcast %add3A_284 : i32 to vector<16xi32>
      %add3A_286 = arith.addi %max3A_280, %add3A_285 : vector<16xi32>
      %select_n3A_287 = arith.select %lt3A_283, %add3A_286, %max3A_280 : vector<16xi1>, vector<16xi32>
      %broadcast_in_dim3A_288 = vector.shape_cast %select_n3A_287 : vector<16xi32> to vector<16x1xi32>
      %gather3A_289 = vector.shape_cast %broadcast_in_dim3A_288 : vector<16x1xi32> to vector<16xi32>
      %gather3A_290 = tpu.dynamic_gather %add3A_274[%gather3A_289] in [0] : vector<16xi32>, vector<16xi32> -> vector<16xi32>
      %ge3A_291 = arith.constant 4 : i32
      %ge3A_292 = vector.broadcast %ge3A_291 : i32 to vector<16xi32>
      %ge3A_293 = arith.cmpi sge, %iota3A, %ge3A_292 : vector<16xi32>
      %broadcast_in_dim3A_294 = arith.constant 0 : i32
      %broadcast_in_dim3A_295 = vector.broadcast %broadcast_in_dim3A_294 : i32 to vector<16xi32>
      %select_n3A_296 = arith.select %ge3A_293, %gather3A_290, %broadcast_in_dim3A_295 : vector<16xi1>, vector<16xi32>
      %add3A_297 = arith.addi %add3A_274, %select_n3A_296 : vector<16xi32>
      %sub3A_298 = arith.constant 8 : i32
      %sub3A_299 = vector.broadcast %sub3A_298 : i32 to vector<16xi32>
      %sub3A_300 = arith.subi %iota3A, %sub3A_299 : vector<16xi32>
      %max3A_301 = arith.constant 0 : i32
      %max3A_302 = vector.broadcast %max3A_301 : i32 to vector<16xi32>
      %max3A_303 = arith.maxsi %sub3A_300, %max3A_302 : vector<16xi32>
      %lt3A_304 = arith.constant 0 : i32
      %lt3A_305 = vector.broadcast %lt3A_304 : i32 to vector<16xi32>
      %lt3A_306 = arith.cmpi slt, %max3A_303, %lt3A_305 : vector<16xi32>
      %add3A_307 = arith.constant 16 : i32
      %add3A_308 = vector.broadcast %add3A_307 : i32 to vector<16xi32>
      %add3A_309 = arith.addi %max3A_303, %add3A_308 : vector<16xi32>
      %select_n3A_310 = arith.select %lt3A_306, %add3A_309, %max3A_303 : vector<16xi1>, vector<16xi32>
      %broadcast_in_dim3A_311 = vector.shape_cast %select_n3A_310 : vector<16xi32> to vector<16x1xi32>
      %gather3A_312 = vector.shape_cast %broadcast_in_dim3A_311 : vector<16x1xi32> to vector<16xi32>
      %gather3A_313 = tpu.dynamic_gather %add3A_297[%gather3A_312] in [0] : vector<16xi32>, vector<16xi32> -> vector<16xi32>
      %ge3A_314 = arith.constant 8 : i32
      %ge3A_315 = vector.broadcast %ge3A_314 : i32 to vector<16xi32>
      %ge3A_316 = arith.cmpi sge, %iota3A, %ge3A_315 : vector<16xi32>
      %broadcast_in_dim3A_317 = arith.constant 0 : i32
      %broadcast_in_dim3A_318 = vector.broadcast %broadcast_in_dim3A_317 : i32 to vector<16xi32>
      %select_n3A_319 = arith.select %ge3A_316, %gather3A_313, %broadcast_in_dim3A_318 : vector<16xi1>, vector<16xi32>
      %add3A_320 = arith.addi %add3A_297, %select_n3A_319 : vector<16xi32>
      %slice3A_321 = vector.extract_strided_slice %add3A_320 {offsets = [15], sizes = [1], strides = [1]} : vector<16xi32> to vector<1xi32>
      %squeeze3A_322 = vector.extract %slice3A_321[0] : i32 from vector<1xi32>
      %sub3A_323 = arith.subi %add3A_320, %select_n3A_228 : vector<16xi32>
      %add3A_324 = vector.broadcast %scan3A_100 : i32 to vector<16xi32>
      %add3A_325 = arith.addi %add3A_324, %sub3A_323 : vector<16xi32>
      %jit3A_326 = arith.constant 12544 : i32
      %broadcast_in_dim3A_327 = vector.broadcast %jit3A_326 : i32 to vector<16xi32>
      %select_n3A_328 = arith.select %and3A_223, %add3A_325, %broadcast_in_dim3A_327 : vector<16xi1>, vector<16xi32>
      tpu.vector_store_idx %arg13[%select_n3A_328], %get3A_103 : memref<12560xi32, #tpu.memory_space<vmem>>[vector<16xi32>], vector<16xi32>,
      tpu.vector_store_idx %arg15[%select_n3A_328], %sub3A_216 : memref<12560xi32, #tpu.memory_space<vmem>>[vector<16xi32>], vector<16xi32>,
      tpu.vector_store_idx %arg17[%select_n3A_328], %get3A_107 : memref<12560xf32, #tpu.memory_space<vmem>>[vector<16xi32>], vector<16xf32>,
      %add3A_329 = arith.addi %scan3A_100, %squeeze3A_322 : i32
      scf.yield %add3A_213, %add3A_329 : i32, i32
    }
    %scan3A_69 = arith.constant 782 : i32
    %add3A_70 = arith.constant 0 : i32
    %add3A_71 = arith.addi %add3A_70, %add3A_49 : i32
    %mul3A_72 = arith.constant 12544 : i32
    %mul3A_73 = arith.muli %add3A_71, %mul3A_72 : i32
    "tpu.region"() ({
      %run_scoped3A = tpu.sem_alloc : memref<!tpu.dma_semaphore, #tpu.memory_space<semaphore_mem>>
      %dma_start3A = arith.constant 0 : i32
      %dma_start3A_98 = tpu.memref_slice %arg12[%dma_start3A] : memref<12560xi32, #tpu.memory_space<vmem>> -> memref<12544xi32, #tpu.memory_space<vmem>>
      %dma_start3A_99 = tpu.memref_slice %arg5[%mul3A_73] : memref<1605632xi32, #tpu.memory_space<hbm>> -> memref<12544xi32, #tpu.memory_space<hbm>>
      %dma_start3A_100 = tpu.memref_slice %arg5[%mul3A_73] : memref<1605632xi32, #tpu.memory_space<hbm>> -> memref<12544xi32, #tpu.memory_space<hbm>>
      %dma_start3A_101 = arith.constant 0 : i32
      %dma_start3A_102 = tpu.memref_slice %arg12[%dma_start3A_101] : memref<12560xi32, #tpu.memory_space<vmem>> -> memref<12544xi32, #tpu.memory_space<vmem>>
      tpu.enqueue_dma source(%dma_start3A_102 : memref<12544xi32, #tpu.memory_space<vmem>>) target(%dma_start3A_100 : memref<12544xi32, #tpu.memory_space<hbm>>) target_semaphore(%run_scoped3A : memref<!tpu.dma_semaphore, #tpu.memory_space<semaphore_mem>>)
      %dma_wait3A = arith.constant 0 : i32
      %dma_wait3A_103 = tpu.memref_slice %arg12[%dma_wait3A] : memref<12560xi32, #tpu.memory_space<vmem>> -> memref<12544xi32, #tpu.memory_space<vmem>>
      %dma_wait3A_104 = tpu.memref_slice %arg5[%mul3A_73] : memref<1605632xi32, #tpu.memory_space<hbm>> -> memref<12544xi32, #tpu.memory_space<hbm>>
      %dma_wait3A_105 = tpu.memref_slice %arg5[%mul3A_73] : memref<1605632xi32, #tpu.memory_space<hbm>> -> memref<12544xi32, #tpu.memory_space<hbm>>
      %dma_wait3A_106 = arith.constant 0 : i32
      %dma_wait3A_107 = tpu.memref_slice %arg12[%dma_wait3A_106] : memref<12560xi32, #tpu.memory_space<vmem>> -> memref<12544xi32, #tpu.memory_space<vmem>>
      tpu.wait_dma2 semaphore(%run_scoped3A : memref<!tpu.dma_semaphore, #tpu.memory_space<semaphore_mem>>) src(%dma_wait3A_107 : memref<12544xi32, #tpu.memory_space<vmem>>) dst(%dma_wait3A_105 : memref<12544xi32, #tpu.memory_space<hbm>>)
      tpu.yield
    }) : () -> ()
    "tpu.region"() ({
      %run_scoped3A = tpu.sem_alloc : memref<!tpu.dma_semaphore, #tpu.memory_space<semaphore_mem>>
      %dma_start3A = arith.constant 0 : i32
      %dma_start3A_98 = tpu.memref_slice %arg14[%dma_start3A] : memref<12560xi32, #tpu.memory_space<vmem>> -> memref<12544xi32, #tpu.memory_space<vmem>>
      %dma_start3A_99 = tpu.memref_slice %arg6[%mul3A_73] : memref<1605632xi32, #tpu.memory_space<hbm>> -> memref<12544xi32, #tpu.memory_space<hbm>>
      %dma_start3A_100 = tpu.memref_slice %arg6[%mul3A_73] : memref<1605632xi32, #tpu.memory_space<hbm>> -> memref<12544xi32, #tpu.memory_space<hbm>>
      %dma_start3A_101 = arith.constant 0 : i32
      %dma_start3A_102 = tpu.memref_slice %arg14[%dma_start3A_101] : memref<12560xi32, #tpu.memory_space<vmem>> -> memref<12544xi32, #tpu.memory_space<vmem>>
      tpu.enqueue_dma source(%dma_start3A_102 : memref<12544xi32, #tpu.memory_space<vmem>>) target(%dma_start3A_100 : memref<12544xi32, #tpu.memory_space<hbm>>) target_semaphore(%run_scoped3A : memref<!tpu.dma_semaphore, #tpu.memory_space<semaphore_mem>>)
      %dma_wait3A = arith.constant 0 : i32
      %dma_wait3A_103 = tpu.memref_slice %arg14[%dma_wait3A] : memref<12560xi32, #tpu.memory_space<vmem>> -> memref<12544xi32, #tpu.memory_space<vmem>>
      %dma_wait3A_104 = tpu.memref_slice %arg6[%mul3A_73] : memref<1605632xi32, #tpu.memory_space<hbm>> -> memref<12544xi32, #tpu.memory_space<hbm>>
      %dma_wait3A_105 = tpu.memref_slice %arg6[%mul3A_73] : memref<1605632xi32, #tpu.memory_space<hbm>> -> memref<12544xi32, #tpu.memory_space<hbm>>
      %dma_wait3A_106 = arith.constant 0 : i32
      %dma_wait3A_107 = tpu.memref_slice %arg14[%dma_wait3A_106] : memref<12560xi32, #tpu.memory_space<vmem>> -> memref<12544xi32, #tpu.memory_space<vmem>>
      tpu.wait_dma2 semaphore(%run_scoped3A : memref<!tpu.dma_semaphore, #tpu.memory_space<semaphore_mem>>) src(%dma_wait3A_107 : memref<12544xi32, #tpu.memory_space<vmem>>) dst(%dma_wait3A_105 : memref<12544xi32, #tpu.memory_space<hbm>>)
      tpu.yield
    }) : () -> ()
    "tpu.region"() ({
      %run_scoped3A = tpu.sem_alloc : memref<!tpu.dma_semaphore, #tpu.memory_space<semaphore_mem>>
      %dma_start3A = arith.constant 0 : i32
      %dma_start3A_98 = tpu.memref_slice %arg16[%dma_start3A] : memref<12560xf32, #tpu.memory_space<vmem>> -> memref<12544xf32, #tpu.memory_space<vmem>>
      %dma_start3A_99 = tpu.memref_slice %arg7[%mul3A_73] : memref<1605632xf32, #tpu.memory_space<hbm>> -> memref<12544xf32, #tpu.memory_space<hbm>>
      %dma_start3A_100 = tpu.memref_slice %arg7[%mul3A_73] : memref<1605632xf32, #tpu.memory_space<hbm>> -> memref<12544xf32, #tpu.memory_space<hbm>>
      %dma_start3A_101 = arith.constant 0 : i32
      %dma_start3A_102 = tpu.memref_slice %arg16[%dma_start3A_101] : memref<12560xf32, #tpu.memory_space<vmem>> -> memref<12544xf32, #tpu.memory_space<vmem>>
      tpu.enqueue_dma source(%dma_start3A_102 : memref<12544xf32, #tpu.memory_space<vmem>>) target(%dma_start3A_100 : memref<12544xf32, #tpu.memory_space<hbm>>) target_semaphore(%run_scoped3A : memref<!tpu.dma_semaphore, #tpu.memory_space<semaphore_mem>>)
      %dma_wait3A = arith.constant 0 : i32
      %dma_wait3A_103 = tpu.memref_slice %arg16[%dma_wait3A] : memref<12560xf32, #tpu.memory_space<vmem>> -> memref<12544xf32, #tpu.memory_space<vmem>>
      %dma_wait3A_104 = tpu.memref_slice %arg7[%mul3A_73] : memref<1605632xf32, #tpu.memory_space<hbm>> -> memref<12544xf32, #tpu.memory_space<hbm>>
      %dma_wait3A_105 = tpu.memref_slice %arg7[%mul3A_73] : memref<1605632xf32, #tpu.memory_space<hbm>> -> memref<12544xf32, #tpu.memory_space<hbm>>
      %dma_wait3A_106 = arith.constant 0 : i32
      %dma_wait3A_107 = tpu.memref_slice %arg16[%dma_wait3A_106] : memref<12560xf32, #tpu.memory_space<vmem>> -> memref<12544xf32, #tpu.memory_space<vmem>>
      tpu.wait_dma2 semaphore(%run_scoped3A : memref<!tpu.dma_semaphore, #tpu.memory_space<semaphore_mem>>) src(%dma_wait3A_107 : memref<12544xf32, #tpu.memory_space<vmem>>) dst(%dma_wait3A_105 : memref<12544xf32, #tpu.memory_space<hbm>>)
      tpu.yield
    }) : () -> ()
    %broadcast_in_dim3A_74 = arith.constant 0 : i32
    %broadcast_in_dim3A_75 = vector.broadcast %broadcast_in_dim3A_74 : i32 to vector<16xi32>
    %add3A_76 = vector.broadcast %scan3A_68#0 : i32 to vector<16xi32>
    %add3A_77 = arith.addi %broadcast_in_dim3A_75, %add3A_76 : vector<16xi32>
    %swap3A_78 = arith.constant 0 : index
    %swap3A_79 = tpu.vector_load %arg18[%swap3A_78] {strides = array<i32>} : memref<16xi32, #tpu.memory_space<vmem>>, vector<16xi32>,
    tpu.vector_store %arg18[%swap3A_78], %add3A_77 {strides = array<i32>} : memref<16xi32, #tpu.memory_space<vmem>>, vector<16xi32>,
    %add3A_80 = arith.constant 0 : i32
    %add3A_81 = arith.addi %add3A_80, %add3A_49 : i32
    %mul3A_82 = arith.constant 16 : i32
    %mul3A_83 = arith.muli %add3A_81, %mul3A_82 : i32
    "tpu.region"() ({
      %run_scoped3A = tpu.sem_alloc : memref<!tpu.dma_semaphore, #tpu.memory_space<semaphore_mem>>
      %dma_start3A = tpu.memref_slice %arg8[%mul3A_83] : memref<2048xi32, #tpu.memory_space<hbm>> -> memref<16xi32, #tpu.memory_space<hbm>>
      %dma_start3A_98 = tpu.memref_slice %arg8[%mul3A_83] : memref<2048xi32, #tpu.memory_space<hbm>> -> memref<16xi32, #tpu.memory_space<hbm>>
      tpu.enqueue_dma source(%arg18 : memref<16xi32, #tpu.memory_space<vmem>>) target(%dma_start3A_98 : memref<16xi32, #tpu.memory_space<hbm>>) target_semaphore(%run_scoped3A : memref<!tpu.dma_semaphore, #tpu.memory_space<semaphore_mem>>)
      %dma_wait3A = tpu.memref_slice %arg8[%mul3A_83] : memref<2048xi32, #tpu.memory_space<hbm>> -> memref<16xi32, #tpu.memory_space<hbm>>
      %dma_wait3A_99 = tpu.memref_slice %arg8[%mul3A_83] : memref<2048xi32, #tpu.memory_space<hbm>> -> memref<16xi32, #tpu.memory_space<hbm>>
      tpu.wait_dma2 semaphore(%run_scoped3A : memref<!tpu.dma_semaphore, #tpu.memory_space<semaphore_mem>>) src(%arg18 : memref<16xi32, #tpu.memory_space<vmem>>) dst(%dma_wait3A_99 : memref<16xi32, #tpu.memory_space<hbm>>)
      tpu.yield
    }) : () -> ()
    %add3A_84 = arith.constant 64 : i32
    %add3A_85 = arith.addi %add3A_84, %add3A_49 : i32
    %mul3A_86 = arith.constant 12544 : i32
    %mul3A_87 = arith.muli %add3A_85, %mul3A_86 : i32
    "tpu.region"() ({
      %run_scoped3A = tpu.sem_alloc : memref<!tpu.dma_semaphore, #tpu.memory_space<semaphore_mem>>
      %dma_start3A = arith.constant 0 : i32
      %dma_start3A_98 = tpu.memref_slice %arg13[%dma_start3A] : memref<12560xi32, #tpu.memory_space<vmem>> -> memref<12544xi32, #tpu.memory_space<vmem>>
      %dma_start3A_99 = tpu.memref_slice %arg5[%mul3A_87] : memref<1605632xi32, #tpu.memory_space<hbm>> -> memref<12544xi32, #tpu.memory_space<hbm>>
      %dma_start3A_100 = tpu.memref_slice %arg5[%mul3A_87] : memref<1605632xi32, #tpu.memory_space<hbm>> -> memref<12544xi32, #tpu.memory_space<hbm>>
      %dma_start3A_101 = arith.constant 0 : i32
      %dma_start3A_102 = tpu.memref_slice %arg13[%dma_start3A_101] : memref<12560xi32, #tpu.memory_space<vmem>> -> memref<12544xi32, #tpu.memory_space<vmem>>
      tpu.enqueue_dma source(%dma_start3A_102 : memref<12544xi32, #tpu.memory_space<vmem>>) target(%dma_start3A_100 : memref<12544xi32, #tpu.memory_space<hbm>>) target_semaphore(%run_scoped3A : memref<!tpu.dma_semaphore, #tpu.memory_space<semaphore_mem>>)
      %dma_wait3A = arith.constant 0 : i32
      %dma_wait3A_103 = tpu.memref_slice %arg13[%dma_wait3A] : memref<12560xi32, #tpu.memory_space<vmem>> -> memref<12544xi32, #tpu.memory_space<vmem>>
      %dma_wait3A_104 = tpu.memref_slice %arg5[%mul3A_87] : memref<1605632xi32, #tpu.memory_space<hbm>> -> memref<12544xi32, #tpu.memory_space<hbm>>
      %dma_wait3A_105 = tpu.memref_slice %arg5[%mul3A_87] : memref<1605632xi32, #tpu.memory_space<hbm>> -> memref<12544xi32, #tpu.memory_space<hbm>>
      %dma_wait3A_106 = arith.constant 0 : i32
      %dma_wait3A_107 = tpu.memref_slice %arg13[%dma_wait3A_106] : memref<12560xi32, #tpu.memory_space<vmem>> -> memref<12544xi32, #tpu.memory_space<vmem>>
      tpu.wait_dma2 semaphore(%run_scoped3A : memref<!tpu.dma_semaphore, #tpu.memory_space<semaphore_mem>>) src(%dma_wait3A_107 : memref<12544xi32, #tpu.memory_space<vmem>>) dst(%dma_wait3A_105 : memref<12544xi32, #tpu.memory_space<hbm>>)
      tpu.yield
    }) : () -> ()
    "tpu.region"() ({
      %run_scoped3A = tpu.sem_alloc : memref<!tpu.dma_semaphore, #tpu.memory_space<semaphore_mem>>
      %dma_start3A = arith.constant 0 : i32
      %dma_start3A_98 = tpu.memref_slice %arg15[%dma_start3A] : memref<12560xi32, #tpu.memory_space<vmem>> -> memref<12544xi32, #tpu.memory_space<vmem>>
      %dma_start3A_99 = tpu.memref_slice %arg6[%mul3A_87] : memref<1605632xi32, #tpu.memory_space<hbm>> -> memref<12544xi32, #tpu.memory_space<hbm>>
      %dma_start3A_100 = tpu.memref_slice %arg6[%mul3A_87] : memref<1605632xi32, #tpu.memory_space<hbm>> -> memref<12544xi32, #tpu.memory_space<hbm>>
      %dma_start3A_101 = arith.constant 0 : i32
      %dma_start3A_102 = tpu.memref_slice %arg15[%dma_start3A_101] : memref<12560xi32, #tpu.memory_space<vmem>> -> memref<12544xi32, #tpu.memory_space<vmem>>
      tpu.enqueue_dma source(%dma_start3A_102 : memref<12544xi32, #tpu.memory_space<vmem>>) target(%dma_start3A_100 : memref<12544xi32, #tpu.memory_space<hbm>>) target_semaphore(%run_scoped3A : memref<!tpu.dma_semaphore, #tpu.memory_space<semaphore_mem>>)
      %dma_wait3A = arith.constant 0 : i32
      %dma_wait3A_103 = tpu.memref_slice %arg15[%dma_wait3A] : memref<12560xi32, #tpu.memory_space<vmem>> -> memref<12544xi32, #tpu.memory_space<vmem>>
      %dma_wait3A_104 = tpu.memref_slice %arg6[%mul3A_87] : memref<1605632xi32, #tpu.memory_space<hbm>> -> memref<12544xi32, #tpu.memory_space<hbm>>
      %dma_wait3A_105 = tpu.memref_slice %arg6[%mul3A_87] : memref<1605632xi32, #tpu.memory_space<hbm>> -> memref<12544xi32, #tpu.memory_space<hbm>>
      %dma_wait3A_106 = arith.constant 0 : i32
      %dma_wait3A_107 = tpu.memref_slice %arg15[%dma_wait3A_106] : memref<12560xi32, #tpu.memory_space<vmem>> -> memref<12544xi32, #tpu.memory_space<vmem>>
      tpu.wait_dma2 semaphore(%run_scoped3A : memref<!tpu.dma_semaphore, #tpu.memory_space<semaphore_mem>>) src(%dma_wait3A_107 : memref<12544xi32, #tpu.memory_space<vmem>>) dst(%dma_wait3A_105 : memref<12544xi32, #tpu.memory_space<hbm>>)
      tpu.yield
    }) : () -> ()
    "tpu.region"() ({
      %run_scoped3A = tpu.sem_alloc : memref<!tpu.dma_semaphore, #tpu.memory_space<semaphore_mem>>
      %dma_start3A = arith.constant 0 : i32
      %dma_start3A_98 = tpu.memref_slice %arg17[%dma_start3A] : memref<12560xf32, #tpu.memory_space<vmem>> -> memref<12544xf32, #tpu.memory_space<vmem>>
      %dma_start3A_99 = tpu.memref_slice %arg7[%mul3A_87] : memref<1605632xf32, #tpu.memory_space<hbm>> -> memref<12544xf32, #tpu.memory_space<hbm>>
      %dma_start3A_100 = tpu.memref_slice %arg7[%mul3A_87] : memref<1605632xf32, #tpu.memory_space<hbm>> -> memref<12544xf32, #tpu.memory_space<hbm>>
      %dma_start3A_101 = arith.constant 0 : i32
      %dma_start3A_102 = tpu.memref_slice %arg17[%dma_start3A_101] : memref<12560xf32, #tpu.memory_space<vmem>> -> memref<12544xf32, #tpu.memory_space<vmem>>
      tpu.enqueue_dma source(%dma_start3A_102 : memref<12544xf32, #tpu.memory_space<vmem>>) target(%dma_start3A_100 : memref<12544xf32, #tpu.memory_space<hbm>>) target_semaphore(%run_scoped3A : memref<!tpu.dma_semaphore, #tpu.memory_space<semaphore_mem>>)
      %dma_wait3A = arith.constant 0 : i32
      %dma_wait3A_103 = tpu.memref_slice %arg17[%dma_wait3A] : memref<12560xf32, #tpu.memory_space<vmem>> -> memref<12544xf32, #tpu.memory_space<vmem>>
      %dma_wait3A_104 = tpu.memref_slice %arg7[%mul3A_87] : memref<1605632xf32, #tpu.memory_space<hbm>> -> memref<12544xf32, #tpu.memory_space<hbm>>
      %dma_wait3A_105 = tpu.memref_slice %arg7[%mul3A_87] : memref<1605632xf32, #tpu.memory_space<hbm>> -> memref<12544xf32, #tpu.memory_space<hbm>>
      %dma_wait3A_106 = arith.constant 0 : i32
      %dma_wait3A_107 = tpu.memref_slice %arg17[%dma_wait3A_106] : memref<12560xf32, #tpu.memory_space<vmem>> -> memref<12544xf32, #tpu.memory_space<vmem>>
      tpu.wait_dma2 semaphore(%run_scoped3A : memref<!tpu.dma_semaphore, #tpu.memory_space<semaphore_mem>>) src(%dma_wait3A_107 : memref<12544xf32, #tpu.memory_space<vmem>>) dst(%dma_wait3A_105 : memref<12544xf32, #tpu.memory_space<hbm>>)
      tpu.yield
    }) : () -> ()
    %broadcast_in_dim3A_88 = arith.constant 0 : i32
    %broadcast_in_dim3A_89 = vector.broadcast %broadcast_in_dim3A_88 : i32 to vector<16xi32>
    %add3A_90 = vector.broadcast %scan3A_68#1 : i32 to vector<16xi32>
    %add3A_91 = arith.addi %broadcast_in_dim3A_89, %add3A_90 : vector<16xi32>
    %swap3A_92 = arith.constant 0 : index
    %swap3A_93 = tpu.vector_load %arg18[%swap3A_92] {strides = array<i32>} : memref<16xi32, #tpu.memory_space<vmem>>, vector<16xi32>,
    tpu.vector_store %arg18[%swap3A_92], %add3A_91 {strides = array<i32>} : memref<16xi32, #tpu.memory_space<vmem>>, vector<16xi32>,
    %add3A_94 = arith.constant 64 : i32
    %add3A_95 = arith.addi %add3A_94, %add3A_49 : i32
    %mul3A_96 = arith.constant 16 : i32
    %mul3A_97 = arith.muli %add3A_95, %mul3A_96 : i32
    "tpu.region"() ({
      %run_scoped3A = tpu.sem_alloc : memref<!tpu.dma_semaphore, #tpu.memory_space<semaphore_mem>>
      %dma_start3A = tpu.memref_slice %arg8[%mul3A_97] : memref<2048xi32, #tpu.memory_space<hbm>> -> memref<16xi32, #tpu.memory_space<hbm>>
      %dma_start3A_98 = tpu.memref_slice %arg8[%mul3A_97] : memref<2048xi32, #tpu.memory_space<hbm>> -> memref<16xi32, #tpu.memory_space<hbm>>
      tpu.enqueue_dma source(%arg18 : memref<16xi32, #tpu.memory_space<vmem>>) target(%dma_start3A_98 : memref<16xi32, #tpu.memory_space<hbm>>) target_semaphore(%run_scoped3A : memref<!tpu.dma_semaphore, #tpu.memory_space<semaphore_mem>>)
      %dma_wait3A = tpu.memref_slice %arg8[%mul3A_97] : memref<2048xi32, #tpu.memory_space<hbm>> -> memref<16xi32, #tpu.memory_space<hbm>>
      %dma_wait3A_99 = tpu.memref_slice %arg8[%mul3A_97] : memref<2048xi32, #tpu.memory_space<hbm>> -> memref<16xi32, #tpu.memory_space<hbm>>
      tpu.wait_dma2 semaphore(%run_scoped3A : memref<!tpu.dma_semaphore, #tpu.memory_space<semaphore_mem>>) src(%arg18 : memref<16xi32, #tpu.memory_space<vmem>>) dst(%dma_wait3A_99 : memref<16xi32, #tpu.memory_space<hbm>>)
      tpu.yield
    }) : () -> ()
    return
  }
}

</mosaic_0001>

<sc_bundles>
// kernel: _route.3.cloned.1.call-start
scs
__scs_entry_jumppad:
0x0: {  	(pc) =	sbr.rel $0x88, $3  }
0x1: {  	(tag) =	ssettag $0x0;
	lr =	simm.s32 $0x1  }
0x2: {  	[smem:$0x3F9E] =	sst lr;
	_ =	strace $0xD0000000  }
0x3: {  	_ = 	snop  }
0x4: {  	_ = 	snop  }
0x5: {  	_ = 	snop  }
0x6: {  	_ = 	snop  }
0x7: {  	_ = 	snop  }
__scs_overlays_trampoline_lowered:
0x8: {  	[smem:$0x3FAD] =	sst s0  }
0x9: {  	[smem:$0x3FAE] =	sst s1  }
0xa: {  	[smem:$0x3FAF] =	sst s2  }
0xb: {  	[smem:$0x3FB0] =	sst s3  }
0xc: {  	[smem:$0x3FB1] =	sst s4  }
0xd: {  	[smem:$0x3FB2] =	sst s5  }
0xe: {  	[smem:$0x3FB3] =	sst s6  }
0xf: {  	[smem:$0x3FB4] =	sst s7  }
0x10: {  	[smem:$0x3FB5] =	sst s8  }
0x11: {  	[smem:$0x3FB6] =	sst s9;
	s0 =	simm.s32 @!p0 $0x0  }
0x12: {  	s1 =	sld [smem:$0x3F9C];
	s0 =	simm.s32 @p0 $0x1  }
0x13: {  	[smem:$0x3FB7] =	sst s0;
	s0 =	simm.s32 @!p1 $0x0  }
0x14: {  	s2 =	sld [smem:$0x3F9B];
	s0 =	simm.s32 @p1 $0x1  }
0x15: {  	[smem:$0x3FB8] =	sst s0;
	s0 =	simm.s32 @!p2 $0x0  }
0x16: {  	s3 =	sld [smem:$0x3FDB];
	s0 =	simm.s32 @p2 $0x1  }
0x17: {  	s4 =	simm.s32 $0x1BF5;
	[smem:$0x3FBA] =	sst s0  }
0x18: {  	s0 =	sld [smem:$0x3F9D];
	_ =	swait.ge [sflag:s4], $0x0  }
0x19: {  	s7 =	sld [smem:$0x3F9E]  }
0x1a: {  	s8 =	sadd.s32 $0xFFFFE003, lr  }
0x1b: {  	s9 =	sadd.s32 $0xFFFFFEF7, lr;
	s5 =	simm.s32 $0xFFFFFFFF;
	p2 =	slt.u32 s8, $0xFFFFF086  }
0x1c: {  	p1 =	slt.u32 s9, $0xF7A;
	s5 =	simm.s32 @!p2 $0x0  }
0x1d: {  	s5 =	simm.s32 @p1 $0x1;
	p0 =	seq.s32 s7, s2  }
0x1e: {  	s7 =	smul.u32 @!p0 $0xF7A, s2;
	p2 =	seq.s32 @!p0 s5, $0x0  }
0x1f: {  	s9 =	smul.u32 $0xF7A, s1;
	s8 =	simm.s32 @!p0 $0x1BF5;
	p2 =	por !p2, p0  }
0x20: {  	[sflag:s8] =	ssyncset.s32 @!p0 $0xFFFFF086;
	s6 =	sadd.s32 @!p0 s3, s7;
	s7 =	simm.s32 @!p0 $0x108  }
0x21: {  	s3 =	sadd.s32 s3, s9;
	s6 =	sadd.s32 @!p0 $0x88, s6;
	s7 =	simm.s32 @p2 $0x1082  }
0x22: {  	[simem:s7], [sflag:s8] =	dma.local @!p0 [hbm:s6], $0xF7A  }
0x23: {  	s9 =	sor.u32 $0xD0000000, s2;
	s6 =	simm.s32 $0x108;
	_ =	swait.ge @!p0 [sflag:s8], $0x0  }
0x24: {  	s3 =	sadd.s32 $0x88, s3;
	s6 =	simm.s32 @!p1 $0x1082;
	[sflag:s4] =	ssyncset.s32 $0xFFFFF086  }
0x25: {  	[simem:s6], [sflag:s4] =	dma.local [hbm:s3], $0xF7A  }
0x26: {  	[smem:$0x3F9E] =	sst s1;
	(tag) =	ssettag s2;
	_ =	strace s9  }
0x27: {  	s1 =	sld [smem:$0x3FAE]  }
0x28: {  	s2 =	sld [smem:$0x3FAF]  }
0x29: {  	s4 =	sld [smem:$0x3FB1]  }
0x2a: {  	p0 =	seq.s32 s5, $0x0;
	s5 =	sld [smem:$0x3FB2]  }
0x2b: {  	s6 =	sld [smem:$0x3FB3]  }
0x2c: {  	s7 =	sld [smem:$0x3FB4]  }
0x2d: {  	s3 =	simm.s32 $0x108;
	s8 =	sld [smem:$0x3FB5]  }
0x2e: {  	s3 =	simm.s32 @!p0 $0x1082;
	s9 =	sld [smem:$0x3FB6]  }
0x2f: {  	lr =	sadd.s32 s0, s3;
	s0 =	sld [smem:$0x3FAD]  }
0x30: {  	s3 =	sld [smem:$0x3FB0]  }
0x31: {  	[smem:$0x3FB9] =	sst s10  }
0x32: {  	s10 =	sld [smem:$0x3FB7];
	_ =	sdelay $0x3  }
0x33: {  	p0 =	seq.s32 s10, $0x1;
	s10 =	sld [smem:$0x3FB9];
	_ =	sdelay $0x3  }
0x34: {  	[smem:$0x3FB9] =	sst s10  }
0x35: {  	s10 =	sld [smem:$0x3FB8];
	_ =	sdelay $0x3  }
0x36: {  	p1 =	seq.s32 s10, $0x1;
	s10 =	sld [smem:$0x3FB9];
	_ =	sdelay $0x3  }
0x37: {  	[smem:$0x3FB9] =	sst s10  }
0x38: {  	s10 =	sld [smem:$0x3FBA]  }
0x39: {  	_ = 	snop;
	(pc) =	sbr.ind lr, $3  }
0x3a: {  	_ = 	snop  }
0x3b: {  	_ = 	snop  }
0x3c: {  	p2 =	seq.s32 s10, $0x1;
	s10 =	sld [smem:$0x3FB9]  }
0x3d: {  	_ =	shalt  }
0x3e: {  	_ =	shalt  }
0x3f: {  	_ =	shalt  }
0x40: {  	_ =	shalt  }
0x41: {  	_ =	shalt  }
0x42: {  	_ =	shalt  }
0x43: {  	_ =	shalt  }
0x44: {  	_ =	shalt  }
0x45: {  	_ =	shalt  }
0x46: {  	_ =	shalt  }
0x47: {  	_ =	shalt  }
0x48: {  	_ =	shalt  }
0x49: {  	_ =	shalt  }
0x4a: {  	_ =	shalt  }
0x4b: {  	_ =	shalt  }
0x4c: {  	_ =	shalt  }
0x4d: {  	_ =	shalt  }
0x4e: {  	_ =	shalt  }
0x4f: {  	_ =	shalt  }
0x50: {  	_ =	shalt  }
0x51: {  	_ =	shalt  }
0x52: {  	_ =	shalt  }
0x53: {  	_ =	shalt  }
0x54: {  	_ =	shalt  }
0x55: {  	_ =	shalt  }
0x56: {  	_ =	shalt  }
0x57: {  	_ =	shalt  }
0x58: {  	_ =	shalt  }
0x59: {  	_ =	shalt  }
0x5a: {  	_ =	shalt  }
0x5b: {  	_ =	shalt  }
0x5c: {  	_ =	shalt  }
0x5d: {  	_ =	shalt  }
0x5e: {  	_ =	shalt  }
0x5f: {  	_ =	shalt  }
0x60: {  	_ =	shalt  }
0x61: {  	_ =	shalt  }
0x62: {  	_ =	shalt  }
0x63: {  	_ =	shalt  }
0x64: {  	_ =	shalt  }
0x65: {  	_ =	shalt  }
0x66: {  	_ =	shalt  }
0x67: {  	_ =	shalt  }
0x68: {  	_ =	shalt  }
0x69: {  	_ =	shalt  }
0x6a: {  	_ =	shalt  }
0x6b: {  	_ =	shalt  }
0x6c: {  	_ =	shalt  }
0x6d: {  	_ =	shalt  }
0x6e: {  	_ =	shalt  }
0x6f: {  	_ =	shalt  }
0x70: {  	_ =	shalt  }
0x71: {  	_ =	shalt  }
0x72: {  	_ =	shalt  }
0x73: {  	_ =	shalt  }
0x74: {  	_ =	shalt  }
0x75: {  	_ =	shalt  }
0x76: {  	_ =	shalt  }
0x77: {  	_ =	shalt  }
0x78: {  	_ =	shalt  }
0x79: {  	_ =	shalt  }
0x7a: {  	_ =	shalt  }
0x7b: {  	_ =	shalt  }
0x7c: {  	_ =	shalt  }
0x7d: {  	_ =	shalt  }
0x7e: {  	_ =	shalt  }
0x7f: {  	_ =	shalt  }
0x80: {  	_ =	shalt  }
0x81: {  	_ =	shalt  }
0x82: {  	_ =	shalt  }
0x83: {  	_ =	shalt  }
0x84: {  	_ =	shalt  }
0x85: {  	_ =	shalt  }
0x86: {  	_ =	shalt  }
0x87: {  	_ =	shalt  }
.Lfunc_end0:
.L_simem_size_0:
called_computation_lowered:
.L_overlay_start_0:
0x88: {  	s2 =	sld [smem:$0x3FD9]  }
0x89: {  	s3 =	sld [smem:$0x3FFE];
	_ =	sdelay $0x1  }
0x8a: {  	s1 =	srdreg.scid  }
0x8b: {  	s0 =	sand.u32 $0x1, s1  }
0x8c: {  	s15 =	sshll.u32 s0, $0xA;
	s2 =	sadd.s32 s3, s2  }
0x8d: {  	s2 =	sadd.s32 s2, s15  }
0x8e: {  	[smem:$0x3FC5] =	sst s2  }
0x8f: {  	_ = 	snop  }
0x90: {  	s2 =	sld [smem:$0x3FD0]  }
0x91: {  	s16 =	sld [smem:$0x3FC9]  }
0x92: {  	s4 =	sld [smem:$0x3FC8]  }
0x93: {  	s6 =	simm.s32 $0xA;
	s7 =	simm.s32 $0x10;
	s5 =	sld [smem:$0x3FC7]  }
0x94: {  	[smem:s7], [sflag:s6] =	dma.local [hbm:s2], $0x1  }
0x95: {  	_ =	swait.eq [sflag:s6], $0x1  }
0x96: {  	s17 =	sld [smem:$0x10]  }
0x97: {  	s18 =	sld [smem:$0x11];
	[sflag:s6] =	ssyncset.done $0x0  }
0x98: {  	s8 =	sld [smem:$0x12];
	[sflag:s6] =	ssyncadd.s32 $0xFFFFFFFF  }
0x99: {  	s19 =	sld [smem:$0x13];
	(tm) =	ssettm $0x1  }
0x9a: {  	s9 =	sld [smem:$0x3FFB];
	_ =	sdelay $0x3  }
0x9b: {  	_ =	strace s9  }
0x9c: {  	s9 =	sld [smem:$0x3FFC];
	_ =	sdelay $0x3  }
0x9d: {  	_ =	strace s9  }
0x9e: {  	s9 =	sld [smem:$0x3FFD];
	_ =	sdelay $0x3  }
0x9f: {  	_ =	strace s9  }
0xa0: {  	_ =	strace $0x8FFFFFFF  }
0xa1: {  	s20 =	sld [smem:$0x3FDB];
	_ =	sdelay $0x1  }
0xa2: {  	s10 =	simm.s32 $_scs_section_size  }
0xa3: {  	s11 =	simm.s32 $_size__tile_overlayer_lowered;
	s12 =	simm.s32 $_tile_overlayer_lowered  }
0xa4: {  	s23 =	simm.s32 $0x1BFF;
	s22 =	sshll.u32 s12, $0x1;
	s9 =	sadd.s32 s10, s20  }
0xa5: {  	s13 =	simm.s32 $0x0;
	s21 =	sshll.u32 s11, $0x1;
	s11 =	sadd.s32 s22, s9  }
0xa6: {  	[timem:s13], [sflag:s23] =	dma.local [hbm:s11], s21  }
0xa7: {  	_ =	swait.ge [sflag:s23], s21  }
0xa8: {  	s10 =	ssub.s32 $0x0, s21;
	[sflag:s23] =	ssyncset.done $0x0  }
0xa9: {  	[sflag:s23] =	ssyncadd.s32 s10;
	_ =	sdelay $0x1  }
0xaa: {  	s24 =	simm.s32 $0x1B8B  }
0xab: {  	_ =	swait.ge [sflag:s24], $0x1  }
0xac: {  	[sflag:s24] =	ssyncset.done $0x0  }
0xad: {  	s25 =	simm.s32 $0x1B8E;
	[sflag:s24] =	ssyncadd.s32 $0xFFFFFFFF  }
0xae: {  	s26 =	simm.s32 $execute0_lowered;
	[smem:$0x3FD2] =	sst s25  }
0xaf: {  	s10 =	sshll.u32 s26, $0x1;
	_ =	strace $0x80000046;
	[dreg:$0x1] =	wrdreg $0xFFFFFFFF  }
0xb0: {  	s28 =	simm.s32 $_size_execute0_lowered;
	s9 =	sadd.s32 s9, s10;
	[dreg:$0x0] =	wrdreg $0x0  }
0xb1: {  	s10 =	sshll.u32 s28, $0x1;
	[dreg:$0x2] =	wrdreg s9  }
0xb2: {  	[dreg:$0x3] =	wrdreg s10  }
0xb3: {  	[dreg:$0x4] =	wrdreg $0xC0  }
0xb4: {  	_ =	task [dreg:s13], $0x5FFFF  }
0xb5: {  	[dreg:$0x1] =	wrdreg $0xFFFFFFFF  }
0xb6: {  	[dreg:$0x0] =	wrdreg $0x60  }
0xb7: {  	[dreg:$0x2] =	wrdreg s16  }
0xb8: {  	[dreg:$0x3] =	wrdreg s4  }
0xb9: {  	[dreg:$0x4] =	wrdreg s5  }
0xba: {  	[dreg:$0x5] =	wrdreg s17  }
0xbb: {  	[dreg:$0x6] =	wrdreg s18  }
0xbc: {  	[dreg:$0x7] =	wrdreg s8  }
0xbd: {  	[dreg:$0x8] =	wrdreg s19  }
0xbe: {  	[dreg:$0x9] =	wrdreg $0x9  }
0xbf: {  	_ =	task.clear_ibuf [dreg:s13], $0xAFFFF;
	_ =	strace $0x90000046  }
0xc0: {  	s29 =	simm.s32 $0x9;
	_ =	strace $0x80000048  }
0xc1: {  	_ =	swait.ge [sflag:s29], $0x1  }
0xc2: {  	[sflag:s29] =	ssyncadd.s32 $0xFFFFFFFF  }
0xc3: {  	_ =	strace $0x90000048  }
0xc4: {  	_ =	sfence  }
0xc5: {  	s30 =	sld [smem:$0x0];
	_ =	sdelay $0x2  }
0xc6: {  	s31 =	sshll.u32 s1, $0xD;
	s1 =	sshrl.u32 s1, $0x2  }
0xc7: {  	s3 =	sand.u32 $0x4000, s31;
	s1 =	sadd.s32 s1, s30  }
0xc8: {  	s0 =	sor.u32 s3, s0;
	s1 =	sshll.u32 s1, $0x11  }
0xc9: {  	s0 =	sor.u32 s1, s0  }
0xca: {  	s0 =	sadd.s32 $0x8F2B, s0  }
0xcb: {  	[sflag:s0] =	ssyncadd.remote.s32 $0x1  }
0xcc: {  	_ =	sfence.sel $0xFFFF  }
0xcd: {  	[dreg:$0x0] =	wrdreg $0xFFFFFFFF;
	(pc) =	sbr.abs _section_cstart, $3  }
0xce: {  	[dreg:$0x1] =	wrdreg $0xFFFFFFFF  }
0xcf: {  	_ =	task.clear_ibuf [dreg:s13], $0x2FFFF;
	_ =	strace $0x9FFFFFFF  }
0xd0: {  	(tm) =	ssettm $0x7FFFFFFF  }
0xd1: {  	_ =	shalt  }
tec
execute0_lowered:
.L_overlay_start_1:
0x0: {  	(tag) =	ssettag $0x1  }
0x1: {  	s2 =	rddreg [dreg:$0x0]  }
0x2: {  	s3 =	rddreg [dreg:$0x1]  }
0x3: {  	s4 =	rddreg [dreg:$0x2]  }
0x4: {  	s5 =	rddreg [dreg:$0x3]  }
0x5: {  	s0 =	srdreg.scid;
	s6 =	rddreg [dreg:$0x4]  }
0x6: {  	s7 =	stileid.u32;
	s8 =	rddreg [dreg:$0x5];
	s0 =	sand.u32 $0x1, s0  }
0x7: {  	s28 =	simm.s32 $0x30E0;
	s29 =	simm.s32 $0x61C0;
	s1 =	sshll.u32 s0, $0x4  }
0x8: {  	s30 =	simm.s32 $0x92A0;
	s0 =	ssub.s32 $0x2, s0;
	s7 =	sor.u32 s7, s1  }
0x9: {  	s31 =	simm.s32 $0xF4C0;
	s10 =	sshrl.u32 s0, $0x1;
	s9 =	smul.u32 $0x61C, s7  }
0xa: {  	s1 =	rddreg [dreg:$0x6];
	s0 =	ssub.s32 s0, s10;
	s25 =	smul.u32 $0x620, s7  }
0xb: {  	s26 =	sor.u32 $0x40, s7;
	s22 =	sor.u32 $0x20, s7;
	s23 =	sor.u32 $0x60, s7  }
0xc: {  	s21 =	sshll.u32 s7, $0x1;
	s14 =	smul.u32 $0x620, s26;
	s24 =	sadd.s32 s2, s9  }
0xd: {  	s15 =	smul.u32 $0x61C, s22;
	s11 =	sadd.s32 s3, s9;
	[dreg:$0x8] =	wrdreg s24  }
0xe: {  	s19 =	smul.u32 $0x620, s22;
	s9 =	sadd.s32 s4, s9;
	[dreg:$0x9] =	wrdreg s11  }
0xf: {  	s20 =	smul.u32 $0x620, s23;
	s13 =	sadd.s32 s5, s25;
	[dreg:$0xa] =	wrdreg s9  }
0x10: {  	v0 =	vimm.s32 $0xEDCBA987;
	v1 =	vimm.s32 $0x65432100;
	v3 =	vimm.s32 $0xDCBA9876;
	s12 =	sadd.s32 s6, s25;
	s10 =	sadd.s32 s8, s25;
	[dreg:$0xb] =	wrdreg s13  }
0x11: {  	v4 =	vimm.s32 $0x54321000;
	v5 =	vimm.s32 $0xBA987654;
	v6 =	vimm.s32 $0xE40000;
	s25 =	sshll.u32 s22, $0x1;
	s22 =	simm.s32 $0x156E0;
	[dreg:$0xc] =	wrdreg s12  }
0x12: {  	v7 =	vimm.s32 $0x32100000;
	vm0 =	vmmov $0x3;
	vm2 =	vcmask $0x3F30;
	[dreg:$0xd] =	wrdreg s10;
	s16 =	sadd.s32 s5, s14;
	s17 =	sadd.s32 s6, s14  }
0x13: {  	vm1 =	vmmov $0xf;
	v0 =	vunpack.c.l.s4.s8 v0;
	v1 =	vunpack.c.l.s4.s8 v1;
	s18 =	sadd.s32 s8, s14;
	s2 =	sadd.s32 s2, s15;
	s11 =	sadd.s32 s3, s15  }
0x14: {  	v3 =	vunpack.c.l.s4.s8 v3;
	v4 =	vunpack.c.l.s4.s8 v4;
	v6 =	vunpack.c.l.s2.s4 v6;
	s12 =	sadd.s32 s4, s15;
	s13 =	sadd.s32 s5, s19;
	s14 =	sadd.s32 s6, s19  }
0x15: {  	v5 =	vunpack.c.l.s4.s8 v5;
	v7 =	vunpack.c.l.s4.s8 v7;
	v2 =	vunpack.c.0.s8.s32 v0;
	s15 =	sadd.s32 s8, s19;
	s19 =	simm.s32 $0x0;
	s24 =	sshll.u32 s26, $0x1  }
0x16: {  	v0 =	vimm.s32 $0x0;
	v3 =	vunpack.c.0.s8.s32 v3;
	v6 =	vunpack.c.l.s4.s8 v6;
	s26 =	sshll.u32 s23, $0x1;
	s23 =	sadd.s32 s1, s25;
	[dreg:$0xe] =	wrdreg s16  }
0x17: {  	v1 =	vunpack.c.0.s8.s32 v1;
	v4 =	vunpack.c.0.s8.s32 v4;
	v5 =	vunpack.c.0.s8.s32 v5;
	s25 =	smax.u32 s0, $0x1;
	s0 =	simm.s32 $0xC3B0;
	[dreg:$0xf] =	wrdreg s17  }
0x18: {  	v2 =	vand.u32 $0xF, v2;
	v3 =	vand.u32 $0xF, v3;
	v6 =	vunpack.c.0.s8.s32 v6;
	s3 =	simm.s32 $0x1B900;
	s4 =	simm.s32 $0x0;
	[dreg:$0x10] =	wrdreg s18  }
0x19: {  	v3 =	vcombine.low v4, v3;
	v4 =	vunpack.c.0.s8.s32 v7;
	v7 =	vimm.s32 $0x7060504;
	[dreg:$0x11] =	wrdreg s2;
	s16 =	sadd.s32 s5, s20;
	s17 =	sadd.s32 s6, s20  }
0x1a: {  	v5 =	vand.u32 $0xF, v5;
	v1 =	vcombine.low v1, v2;
	v7 =	vunpack.c.0.s8.s32 v7;
	s18 =	sadd.s32 s8, s20;
	[smem:$0x7FF] =	sst s19;
	s20 =	sadd.s32 s1, s21  }
0x1b: {  	v2 =	vimm.f32 $0.0e+00;
	v6 =	vand.u32 $0x3, v6;
	s21 =	sadd.s32 s1, s24;
	s24 =	sadd.s32 s1, s26;
	s26 =	simm.s32 $0x1;
	v4 =	vcombine.low v4, v5  }
0x1c: {  	v5 =	vlaneseq.u32;
	s1 =	simm.s32 $0x125D0;
	s2 =	simm.s32 $0x187F0;
	_ =	strace $0x80000047;
	v6 =	vsel vm2, v7, v6;
	vm2 =	vmmov $0xff  }
.LBB2_1:
0x1d: {  	s5 =	rddreg [dreg:$0x8]  }
0x1e: {  	[tilespmem:s19], [sflag:$0x1] =	stream.linear.gather [hbm4b:s5+s19], $0x30E0, $0x38;
	[tilespmem:$0x1B910] =	vst v63  }
0x1f: {  	_ =	swait.ge [sflag:s26], $0x30E0  }
0x20: {  	[sflag:s26] =	ssyncset.done $0x0  }
0x21: {  	s9 =	rddreg [dreg:$0x9];
	[sflag:s26] =	ssyncadd.s32 $0xFFFFCF20  }
0x22: {  	[tilespmem:s28], [sflag:$0x1] =	stream.linear.gather [hbm4b:s9+s19], $0x30E0, $0x38;
	[tilespmem:$0x1B910] =	vst v63  }
0x23: {  	_ =	swait.ge [sflag:s26], $0x30E0  }
0x24: {  	[sflag:s26] =	ssyncset.done $0x0  }
0x25: {  	s10 =	rddreg [dreg:$0xa];
	[sflag:s26] =	ssyncadd.s32 $0xFFFFCF20  }
0x26: {  	[tilespmem:s29], [sflag:$0x1] =	stream.linear.gather [hbm4b:s10+s19], $0x30E0, $0x38;
	[tilespmem:$0x1B910] =	vst v63  }
0x27: {  	_ =	swait.ge [sflag:s26], $0x30E0  }
0x28: {  	[sflag:s26] =	ssyncset.done $0x0  }
0x29: {  	s5 =	simm.s32 $0x0;
	[sflag:s26] =	ssyncadd.s32 $0xFFFFCF20  }
0x2a: {  	[tilespmem:s5+$0x187F0] =	vst v2  }
0x2b: {  	[tilespmem:s5+$0x92A0] =	vst v0  }
0x2c: {  	[tilespmem:s5+$0xF4C0] =	vst v0  }
0x2d: {  	[tilespmem:s5+$0x156E0] =	vst v2  }
0x2e: {  	s6 =	simm.s32 $0x40;
	[tilespmem:s5+$0xC3B0] =	vst v0  }
.LBB2_2:
0x2f: {  	p0 =	sne.s32 s6, $0xC400;
	[tilespmem:s5+$0x125D0] =	vst v0;
	s5 =	sshra.s32 s6, $0x2;
	s6 =	sadd.s32 $0x40, s6  }
.Ltmp0:
0x30: {  	[tilespmem:s5+$0x187F0] =	vst v2;
	(pc) =	sbr.rel @p0 .LBB2_2-.Ltmp0, $4  }
0x31: {  	[tilespmem:s5+$0x92A0] =	vst v0  }
0x32: {  	[tilespmem:s5+$0xF4C0] =	vst v0  }
0x33: {  	[tilespmem:s5+$0x156E0] =	vst v2  }
0x34: {  	[tilespmem:s5+$0xC3B0] =	vst v0  }
0x35: {  	[tilespmem:s5+$0x125D0] =	vst v0;
	s6 =	simm.s32 $0x0  }
0x36: {  	v7 =	vld [tilespmem:s6+$0x30E0];
	_ =	sdelay $0x4  }
0x37: {  	vm5 =	vlt.u32 v7, $0x61A8;
	v8 =	vadd.s32 $0xFFFF9E58, v7  }
0x38: {  	v9 =	vsel vm5, $0x1, v0;
	vm4 =	vlt.u32 v8, $0x61A8  }
0x39: {  	v10 =	vperm.xlane v9, v1;
	v11 =	vsel vm4, $0x1, v0  }
0x3a: {  	vm3 =	veq.s32 v5, $0x0;
	v12 =	vperm.xlane v11, v1  }
0x3b: {  	v10 =	vsel vm3, $0x0, v10  }
0x3c: {  	v9 =	vadd.s32 v9, v10;
	v58 =	vsel vm3, $0x0, v12  }
0x3d: {  	v59 =	vperm.xlane v9, v3;
	v10 =	vadd.s32 v11, v58  }
0x3e: {  	v11 =	vperm.xlane v10, v3  }
0x3f: {  	v12 =	vsel vm0, $0x0, v59  }
0x40: {  	v9 =	vadd.s32 v12, v9;
	v11 =	vsel vm0, $0x0, v11  }
0x41: {  	v12 =	vperm.xlane v9, v4;
	v10 =	vadd.s32 v11, v10  }
0x42: {  	v11 =	vperm.xlane v10, v4  }
0x43: {  	v12 =	vsel vm1, $0x0, v12  }
0x44: {  	v9 =	vadd.s32 v12, v9;
	v11 =	vsel vm1, $0x0, v11  }
0x45: {  	v12 =	vperm.xlane v9, v6;
	v10 =	vadd.s32 v11, v10  }
0x46: {  	v11 =	vperm.xlane v10, v6  }
0x47: {  	v12 =	vsel vm2, $0x0, v12  }
0x48: {  	s5 =	simm.s32 $0x0;
	v60 =	vsel vm5, $0xFFFFFFFF, v0;
	v9 =	vadd.s32 v12, v9;
	v11 =	vsel vm2, $0x0, v11  }
0x49: {  	v10 =	vadd.s32 v11, v10;
	(v2sf) =	vpush v9, $0xF;
	v11 =	vadd.s32 s5, v60  }
0x4a: {  	(v2sf) =	vpush v10, $0xF;
	v9 =	vadd.s32 v9, v11  }
0x4b: {  	v62 =	vld [tilespmem:s6+$0x0];
	v61 =	vsel vm4, $0xFFFFFFFF, v0;
	v9 =	vnsel vm5, $0x3100, v9  }
0x4c: {  	v11 =	vadd.s32 s5, v61  }
0x4d: {  	v63 =	vld [tilespmem:s6+$0x61C0];
	v10 =	vadd.s32 v10, v11  }
0x4e: {  	v10 =	vnsel vm4, $0x3100, v10;
	_ =	sdelay $0x1  }
0x4f: {  	[tilespmem:v9+s30+$0x0] =	vst.idx.msk $0xffff, v62  }
0x50: {  	[tilespmem:v9+s31+$0x0] =	vst.idx.msk $0xffff, v7  }
0x51: {  	[tilespmem:v9+s22+$0x0] =	vst.idx.msk $0xffff, v63  }
0x52: {  	[tilespmem:v10+s0+$0x0] =	vst.idx.msk $0xffff, v62  }
0x53: {  	[tilespmem:v10+s1+$0x0] =	vst.idx.msk $0xffff, v8  }
0x54: {  	s7 =	simm.s32 $0x10;
	[tilespmem:v10+s2+$0x0] =	vst.idx.msk $0xffff, v63  }
0x55: {  	v7 =	vld [tilespmem:s7+$0x30E0];
	_ =	sdelay $0x1  }
0x56: {  	s10 =	spop (v2sf)  }
0x57: {  	s8 =	simm.s32 $0x80;
	s6 =	sadd.s32 $0x0, s10;
	s9 =	spop (v2sf)  }
.LBB2_4:
0x58: {  	p0 =	sne.s32 s8, $0xC340  }
0x59: {  	vm4 =	vlt.u32 v7, $0x61A8;
	v8 =	vadd.s32 $0xFFFF9E58, v7;
	s5 =	sadd.s32 s5, s9;
	s9 =	smov.u32 s8;
	s8 =	sadd.s32 $0x40, s8  }
0x5a: {  	v9 =	vsel vm4, $0xFFFFFFFF, v0;
	v10 =	vsel vm4, $0x1, v0;
	vm5 =	vlt.u32 v8, $0x61A8  }
0x5b: {  	v11 =	vperm.xlane v10, v1;
	v12 =	vsel vm5, $0xFFFFFFFF, v0;
	v13 =	vsel vm5, $0x1, v0  }
0x5c: {  	v14 =	vperm.xlane v13, v1  }
0x5d: {  	v11 =	vsel vm3, $0x0, v11  }
0x5e: {  	v10 =	vadd.s32 v10, v11;
	v11 =	vsel vm3, $0x0, v14  }
0x5f: {  	v14 =	vperm.xlane v10, v3;
	v11 =	vadd.s32 v13, v11  }
0x60: {  	v13 =	vperm.xlane v11, v3  }
0x61: {  	v14 =	vsel vm0, $0x0, v14  }
0x62: {  	v10 =	vadd.s32 v14, v10;
	v13 =	vsel vm0, $0x0, v13  }
0x63: {  	v14 =	vperm.xlane v10, v4;
	v11 =	vadd.s32 v13, v11  }
0x64: {  	v13 =	vperm.xlane v11, v4  }
0x65: {  	v14 =	vsel vm1, $0x0, v14  }
0x66: {  	v10 =	vadd.s32 v14, v10;
	v13 =	vsel vm1, $0x0, v13  }
0x67: {  	v14 =	vperm.xlane v10, v6;
	v11 =	vadd.s32 v13, v11  }
0x68: {  	v13 =	vperm.xlane v11, v6  }
0x69: {  	v12 =	vadd.s32 s5, v12;
	v14 =	vsel vm2, $0x0, v14  }
0x6a: {  	v9 =	vadd.s32 s6, v9;
	v10 =	vadd.s32 v14, v10;
	v13 =	vsel vm2, $0x0, v13  }
0x6b: {  	v9 =	vadd.s32 v10, v9;
	v11 =	vadd.s32 v13, v11;
	(v2sf) =	vpush v10, $0xF  }
0x6c: {  	v10 =	vld [tilespmem:s7+$0x0];
	v9 =	vnsel vm4, $0x3100, v9;
	v12 =	vadd.s32 v11, v12;
	(v2sf) =	vpush v11, $0xF;
	_ =	sdelay $0x1  }
0x6d: {  	v11 =	vld [tilespmem:s7+$0x61C0]  }
0x6e: {  	v12 =	vnsel vm5, $0x3100, v12;
	_ =	sdelay $0x1  }
0x6f: {  	[tilespmem:v9+s30+$0x0] =	vst.idx.msk $0xffff, v10  }
0x70: {  	[tilespmem:v9+s31+$0x0] =	vst.idx.msk $0xffff, v7  }
0x71: {  	[tilespmem:v9+s22+$0x0] =	vst.idx.msk $0xffff, v11  }
0x72: {  	[tilespmem:v12+s0+$0x0] =	vst.idx.msk $0xffff, v10  }
0x73: {  	[tilespmem:v12+s1+$0x0] =	vst.idx.msk $0xffff, v8  }
0x74: {  	s7 =	sshra.s32 s9, $0x2;
	[tilespmem:v12+s2+$0x0] =	vst.idx.msk $0xffff, v11  }
.Ltmp1:
0x75: {  	v7 =	vld [tilespmem:s7+$0x30E0];
	(pc) =	sbr.rel @p0 .LBB2_4-.Ltmp1, $3  }
0x76: {  	_ =	sdelay $0x1  }
0x77: {  	s9 =	spop (v2sf)  }
0x78: {  	s6 =	sadd.s32 s6, s9;
	s9 =	spop (v2sf)  }
0x79: {  	vm4 =	vlt.u32 v7, $0x61A8;
	v8 =	vadd.s32 $0xFFFF9E58, v7  }
0x7a: {  	v9 =	vsel vm4, $0x1, v0;
	vm3 =	vlt.u32 v8, $0x61A8  }
0x7b: {  	v10 =	vperm.xlane v9, v1;
	v11 =	vsel vm3, $0x1, v0  }
0x7c: {  	vm5 =	veq.s32 v5, $0x0;
	v12 =	vperm.xlane v11, v1  }
0x7d: {  	v10 =	vsel vm5, $0x0, v10  }
0x7e: {  	v9 =	vadd.s32 v9, v10;
	v58 =	vsel vm5, $0x0, v12  }
0x7f: {  	v59 =	vperm.xlane v9, v3;
	v10 =	vadd.s32 v11, v58  }
0x80: {  	v11 =	vperm.xlane v10, v3  }
0x81: {  	v12 =	vsel vm0, $0x0, v59  }
0x82: {  	v9 =	vadd.s32 v12, v9;
	v11 =	vsel vm0, $0x0, v11  }
0x83: {  	v12 =	vperm.xlane v9, v4;
	v10 =	vadd.s32 v11, v10  }
0x84: {  	v11 =	vperm.xlane v10, v4  }
0x85: {  	v12 =	vsel vm1, $0x0, v12  }
0x86: {  	v9 =	vadd.s32 v12, v9;
	v11 =	vsel vm1, $0x0, v11  }
0x87: {  	v12 =	vperm.xlane v9, v6;
	v10 =	vadd.s32 v11, v10  }
0x88: {  	v11 =	vperm.xlane v10, v6  }
0x89: {  	v12 =	vsel vm2, $0x0, v12  }
0x8a: {  	v9 =	vadd.s32 v12, v9;
	v11 =	vsel vm2, $0x0, v11  }
0x8b: {  	v60 =	vsel vm4, $0xFFFFFFFF, v0;
	v10 =	vadd.s32 v11, v10;
	(v2sf) =	vpush v9, $0xF  }
0x8c: {  	v11 =	vadd.s32 s6, v60;
	(v2sf) =	vpush v10, $0xF  }
0x8d: {  	v9 =	vadd.s32 v9, v11  }
0x8e: {  	s8 =	sadd.s32 s5, s9;
	v62 =	vld [tilespmem:s7+$0x0];
	v61 =	vsel vm3, $0xFFFFFFFF, v0;
	v9 =	vnsel vm4, $0x3100, v9  }
0x8f: {  	v11 =	vadd.s32 s8, v61  }
0x90: {  	v63 =	vld [tilespmem:s7+$0x61C0];
	v10 =	vadd.s32 v10, v11  }
0x91: {  	v10 =	vnsel vm3, $0x3100, v10;
	_ =	sdelay $0x1  }
0x92: {  	[tilespmem:v9+s30+$0x0] =	vst.idx.msk $0xffff, v62  }
0x93: {  	[tilespmem:v9+s31+$0x0] =	vst.idx.msk $0xffff, v7  }
0x94: {  	[tilespmem:v9+s22+$0x0] =	vst.idx.msk $0xffff, v63  }
0x95: {  	[tilespmem:v10+s0+$0x0] =	vst.idx.msk $0xffff, v62  }
0x96: {  	[tilespmem:v10+s1+$0x0] =	vst.idx.msk $0xffff, v8  }
0x97: {  	s5 =	simm.s32 $0x0;
	s10 =	rddreg [dreg:$0xb];
	[tilespmem:v10+s2+$0x0] =	vst.idx.msk $0xffff, v63  }
0x98: {  	[hbm4b:s10+s5] =	stream.linear.scatter [tilespmem:s30], [sflag:$0x1], $0x3100, $0x38;
	[tilespmem:$0x1B910] =	vst v63  }
0x99: {  	s7 =	spop (v2sf)  }
0x9a: {  	s9 =	spop (v2sf)  }
0x9b: {  	_ =	swait.ge [sflag:s26], $0x3100  }
0x9c: {  	[sflag:s26] =	ssyncset.done $0x0  }
0x9d: {  	s10 =	rddreg [dreg:$0xc];
	[sflag:s26] =	ssyncadd.s32 $0xFFFFCF00  }
0x9e: {  	[hbm4b:s10+s5] =	stream.linear.scatter [tilespmem:s31], [sflag:$0x1], $0x3100, $0x38;
	[tilespmem:$0x1B910] =	vst v63  }
0x9f: {  	_ =	swait.ge [sflag:s26], $0x3100  }
0xa0: {  	[sflag:s26] =	ssyncset.done $0x0  }
0xa1: {  	s10 =	rddreg [dreg:$0xd];
	[sflag:s26] =	ssyncadd.s32 $0xFFFFCF00  }
0xa2: {  	[hbm4b:s10+s5] =	stream.linear.scatter [tilespmem:s22], [sflag:$0x1], $0x3100, $0x38;
	[tilespmem:$0x1B910] =	vst v63  }
0xa3: {  	_ =	swait.ge [sflag:s26], $0x3100  }
0xa4: {  	s10 =	sadd.s32 s6, s7;
	[sflag:s26] =	ssyncset.done $0x0  }
0xa5: {  	v7 =	vmov s10;
	[sflag:s26] =	ssyncadd.s32 $0xFFFFCF00  }
0xa6: {  	[tilespmem:$0x1B900] =	vst v7  }
0xa7: {  	[hbm4b:s20+s5] =	stream.linear.scatter [tilespmem:s3], [sflag:$0x1], $0x10, $0x38;
	[tilespmem:$0x1B910] =	vst v63  }
0xa8: {  	_ =	swait.ge [sflag:s26], $0x10  }
0xa9: {  	[sflag:s26] =	ssyncset.done $0x0  }
0xaa: {  	s7 =	rddreg [dreg:$0xe];
	[sflag:s26] =	ssyncadd.s32 $0xFFFFFFF0  }
0xab: {  	[hbm4b:s7+s5] =	stream.linear.scatter [tilespmem:s0], [sflag:$0x1], $0x3100, $0x38;
	[tilespmem:$0x1B910] =	vst v63  }
0xac: {  	_ =	swait.ge [sflag:s26], $0x3100  }
0xad: {  	[sflag:s26] =	ssyncset.done $0x0  }
0xae: {  	s10 =	rddreg [dreg:$0xf];
	[sflag:s26] =	ssyncadd.s32 $0xFFFFCF00  }
0xaf: {  	[hbm4b:s10+s5] =	stream.linear.scatter [tilespmem:s1], [sflag:$0x1], $0x3100, $0x38;
	[tilespmem:$0x1B910] =	vst v63  }
0xb0: {  	_ =	swait.ge [sflag:s26], $0x3100  }
0xb1: {  	[sflag:s26] =	ssyncset.done $0x0  }
0xb2: {  	s7 =	rddreg [dreg:$0x10];
	[sflag:s26] =	ssyncadd.s32 $0xFFFFCF00  }
0xb3: {  	[hbm4b:s7+s5] =	stream.linear.scatter [tilespmem:s2], [sflag:$0x1], $0x3100, $0x38;
	[tilespmem:$0x1B910] =	vst v63  }
0xb4: {  	_ =	swait.ge [sflag:s26], $0x3100  }
0xb5: {  	s9 =	sadd.s32 s8, s9;
	[sflag:s26] =	ssyncset.done $0x0  }
0xb6: {  	v7 =	vmov s9;
	[sflag:s26] =	ssyncadd.s32 $0xFFFFCF00  }
0xb7: {  	[tilespmem:$0x1B900] =	vst v7  }
0xb8: {  	[hbm4b:s21+s5] =	stream.linear.scatter [tilespmem:s3], [sflag:$0x1], $0x10, $0x38;
	[tilespmem:$0x1B910] =	vst v63  }
0xb9: {  	_ =	swait.ge [sflag:s26], $0x10  }
0xba: {  	[sflag:s26] =	ssyncset.done $0x0  }
0xbb: {  	s10 =	rddreg [dreg:$0x11];
	[sflag:s26] =	ssyncadd.s32 $0xFFFFFFF0  }
0xbc: {  	[tilespmem:s5], [sflag:$0x1] =	stream.linear.gather [hbm4b:s10+s5], $0x30E0, $0x38;
	[tilespmem:$0x1B910] =	vst v63  }
0xbd: {  	_ =	swait.ge [sflag:s26], $0x30E0  }
0xbe: {  	[sflag:s26] =	ssyncset.done $0x0  }
0xbf: {  	[sflag:s26] =	ssyncadd.s32 $0xFFFFCF20  }
0xc0: {  	[tilespmem:s28], [sflag:$0x1] =	stream.linear.gather [hbm4b:s11+s5], $0x30E0, $0x38;
	[tilespmem:$0x1B910] =	vst v63  }
0xc1: {  	_ =	swait.ge [sflag:s26], $0x30E0  }
0xc2: {  	[sflag:s26] =	ssyncset.done $0x0  }
0xc3: {  	[sflag:s26] =	ssyncadd.s32 $0xFFFFCF20  }
0xc4: {  	[tilespmem:s29], [sflag:$0x1] =	stream.linear.gather [hbm4b:s12+s5], $0x30E0, $0x38;
	[tilespmem:$0x1B910] =	vst v63  }
0xc5: {  	_ =	swait.ge [sflag:s26], $0x30E0  }
0xc6: {  	[sflag:s26] =	ssyncset.done $0x0  }
0xc7: {  	s6 =	simm.s32 $0x0;
	[sflag:s26] =	ssyncadd.s32 $0xFFFFCF20  }
0xc8: {  	[tilespmem:s6+$0x187F0] =	vst v2  }
0xc9: {  	[tilespmem:s6+$0x92A0] =	vst v0  }
0xca: {  	[tilespmem:s6+$0xF4C0] =	vst v0  }
0xcb: {  	[tilespmem:s6+$0x156E0] =	vst v2  }
0xcc: {  	s7 =	simm.s32 $0x40;
	[tilespmem:s6+$0xC3B0] =	vst v0  }
.LBB2_6:
0xcd: {  	p0 =	sne.s32 s7, $0xC400;
	[tilespmem:s6+$0x125D0] =	vst v0;
	s6 =	sshra.s32 s7, $0x2;
	s7 =	sadd.s32 $0x40, s7  }
.Ltmp2:
0xce: {  	[tilespmem:s6+$0x187F0] =	vst v2;
	(pc) =	sbr.rel @p0 .LBB2_6-.Ltmp2, $4  }
0xcf: {  	[tilespmem:s6+$0x92A0] =	vst v0  }
0xd0: {  	[tilespmem:s6+$0xF4C0] =	vst v0  }
0xd1: {  	[tilespmem:s6+$0x156E0] =	vst v2  }
0xd2: {  	[tilespmem:s6+$0xC3B0] =	vst v0  }
0xd3: {  	[tilespmem:s6+$0x125D0] =	vst v0;
	s9 =	simm.s32 $0x0  }
0xd4: {  	v7 =	vld [tilespmem:s9+$0x30E0];
	_ =	sdelay $0x4  }
0xd5: {  	vm5 =	vlt.u32 v7, $0x61A8;
	v8 =	vadd.s32 $0xFFFF9E58, v7  }
0xd6: {  	v9 =	vsel vm5, $0x1, v0;
	vm4 =	vlt.u32 v8, $0x61A8  }
0xd7: {  	v10 =	vperm.xlane v9, v1;
	v11 =	vsel vm4, $0x1, v0  }
0xd8: {  	vm3 =	veq.s32 v5, $0x0;
	v12 =	vperm.xlane v11, v1  }
0xd9: {  	v10 =	vsel vm3, $0x0, v10  }
0xda: {  	v9 =	vadd.s32 v9, v10;
	v58 =	vsel vm3, $0x0, v12  }
0xdb: {  	v59 =	vperm.xlane v9, v3;
	v10 =	vadd.s32 v11, v58  }
0xdc: {  	v11 =	vperm.xlane v10, v3  }
0xdd: {  	v12 =	vsel vm0, $0x0, v59  }
0xde: {  	v9 =	vadd.s32 v12, v9;
	v11 =	vsel vm0, $0x0, v11  }
0xdf: {  	v12 =	vperm.xlane v9, v4;
	v10 =	vadd.s32 v11, v10  }
0xe0: {  	v11 =	vperm.xlane v10, v4  }
0xe1: {  	v12 =	vsel vm1, $0x0, v12  }
0xe2: {  	v9 =	vadd.s32 v12, v9;
	v11 =	vsel vm1, $0x0, v11  }
0xe3: {  	v12 =	vperm.xlane v9, v6;
	v10 =	vadd.s32 v11, v10  }
0xe4: {  	v11 =	vperm.xlane v10, v6  }
0xe5: {  	v12 =	vsel vm2, $0x0, v12  }
0xe6: {  	v60 =	vsel vm5, $0xFFFFFFFF, v0;
	v9 =	vadd.s32 v12, v9;
	v11 =	vsel vm2, $0x0, v11  }
0xe7: {  	v10 =	vadd.s32 v11, v10;
	(v2sf) =	vpush v9, $0xF;
	v11 =	vadd.s32 s5, v60  }
0xe8: {  	(v2sf) =	vpush v10, $0xF;
	v9 =	vadd.s32 v9, v11  }
0xe9: {  	v62 =	vld [tilespmem:s9+$0x0];
	v61 =	vsel vm4, $0xFFFFFFFF, v0;
	v9 =	vnsel vm5, $0x3100, v9  }
0xea: {  	v11 =	vadd.s32 s5, v61  }
0xeb: {  	v63 =	vld [tilespmem:s9+$0x61C0];
	v10 =	vadd.s32 v10, v11  }
0xec: {  	v10 =	vnsel vm4, $0x3100, v10;
	_ =	sdelay $0x1  }
0xed: {  	[tilespmem:v9+s30+$0x0] =	vst.idx.msk $0xffff, v62  }
0xee: {  	[tilespmem:v9+s31+$0x0] =	vst.idx.msk $0xffff, v7  }
0xef: {  	[tilespmem:v9+s22+$0x0] =	vst.idx.msk $0xffff, v63  }
0xf0: {  	[tilespmem:v10+s0+$0x0] =	vst.idx.msk $0xffff, v62  }
0xf1: {  	[tilespmem:v10+s1+$0x0] =	vst.idx.msk $0xffff, v8  }
0xf2: {  	s7 =	simm.s32 $0x10;
	[tilespmem:v10+s2+$0x0] =	vst.idx.msk $0xffff, v63  }
0xf3: {  	v7 =	vld [tilespmem:s7+$0x30E0];
	_ =	sdelay $0x1  }
0xf4: {  	s10 =	spop (v2sf)  }
0xf5: {  	s8 =	simm.s32 $0x80;
	s6 =	sadd.s32 $0x0, s10;
	s9 =	spop (v2sf)  }
.LBB2_8:
0xf6: {  	p0 =	sne.s32 s8, $0xC340  }
0xf7: {  	vm4 =	vlt.u32 v7, $0x61A8;
	v8 =	vadd.s32 $0xFFFF9E58, v7;
	s5 =	sadd.s32 s5, s9;
	s9 =	smov.u32 s8;
	s8 =	sadd.s32 $0x40, s8  }
0xf8: {  	v9 =	vsel vm4, $0xFFFFFFFF, v0;
	v10 =	vsel vm4, $0x1, v0;
	vm5 =	vlt.u32 v8, $0x61A8  }
0xf9: {  	v11 =	vperm.xlane v10, v1;
	v12 =	vsel vm5, $0xFFFFFFFF, v0;
	v13 =	vsel vm5, $0x1, v0  }
0xfa: {  	v14 =	vperm.xlane v13, v1  }
0xfb: {  	v11 =	vsel vm3, $0x0, v11  }
0xfc: {  	v10 =	vadd.s32 v10, v11;
	v11 =	vsel vm3, $0x0, v14  }
0xfd: {  	v14 =	vperm.xlane v10, v3;
	v11 =	vadd.s32 v13, v11  }
0xfe: {  	v13 =	vperm.xlane v11, v3  }
0xff: {  	v14 =	vsel vm0, $0x0, v14  }
0x100: {  	v10 =	vadd.s32 v14, v10;
	v13 =	vsel vm0, $0x0, v13  }
0x101: {  	v14 =	vperm.xlane v10, v4;
	v11 =	vadd.s32 v13, v11  }
0x102: {  	v13 =	vperm.xlane v11, v4  }
0x103: {  	v14 =	vsel vm1, $0x0, v14  }
0x104: {  	v10 =	vadd.s32 v14, v10;
	v13 =	vsel vm1, $0x0, v13  }
0x105: {  	v14 =	vperm.xlane v10, v6;
	v11 =	vadd.s32 v13, v11  }
0x106: {  	v13 =	vperm.xlane v11, v6  }
0x107: {  	v12 =	vadd.s32 s5, v12;
	v14 =	vsel vm2, $0x0, v14  }
0x108: {  	v9 =	vadd.s32 s6, v9;
	v10 =	vadd.s32 v14, v10;
	v13 =	vsel vm2, $0x0, v13  }
0x109: {  	v9 =	vadd.s32 v10, v9;
	v11 =	vadd.s32 v13, v11;
	(v2sf) =	vpush v10, $0xF  }
0x10a: {  	v10 =	vld [tilespmem:s7+$0x0];
	v9 =	vnsel vm4, $0x3100, v9;
	v12 =	vadd.s32 v11, v12;
	(v2sf) =	vpush v11, $0xF;
	_ =	sdelay $0x1  }
0x10b: {  	v11 =	vld [tilespmem:s7+$0x61C0]  }
0x10c: {  	v12 =	vnsel vm5, $0x3100, v12;
	_ =	sdelay $0x1  }
0x10d: {  	[tilespmem:v9+s30+$0x0] =	vst.idx.msk $0xffff, v10  }
0x10e: {  	[tilespmem:v9+s31+$0x0] =	vst.idx.msk $0xffff, v7  }
0x10f: {  	[tilespmem:v9+s22+$0x0] =	vst.idx.msk $0xffff, v11  }
0x110: {  	[tilespmem:v12+s0+$0x0] =	vst.idx.msk $0xffff, v10  }
0x111: {  	[tilespmem:v12+s1+$0x0] =	vst.idx.msk $0xffff, v8  }
0x112: {  	s7 =	sshra.s32 s9, $0x2;
	[tilespmem:v12+s2+$0x0] =	vst.idx.msk $0xffff, v11  }
.Ltmp3:
0x113: {  	v7 =	vld [tilespmem:s7+$0x30E0];
	(pc) =	sbr.rel @p0 .LBB2_8-.Ltmp3, $3  }
0x114: {  	_ =	sdelay $0x1  }
0x115: {  	s9 =	spop (v2sf)  }
0x116: {  	s6 =	sadd.s32 s6, s9;
	s9 =	spop (v2sf)  }
0x117: {  	vm4 =	vlt.u32 v7, $0x61A8;
	v8 =	vadd.s32 $0xFFFF9E58, v7  }
0x118: {  	v9 =	vsel vm4, $0x1, v0;
	vm3 =	vlt.u32 v8, $0x61A8  }
0x119: {  	v10 =	vperm.xlane v9, v1;
	v11 =	vsel vm3, $0x1, v0  }
0x11a: {  	vm5 =	veq.s32 v5, $0x0;
	v12 =	vperm.xlane v11, v1  }
0x11b: {  	v10 =	vsel vm5, $0x0, v10  }
0x11c: {  	v9 =	vadd.s32 v9, v10;
	v58 =	vsel vm5, $0x0, v12  }
0x11d: {  	v59 =	vperm.xlane v9, v3;
	v10 =	vadd.s32 v11, v58  }
0x11e: {  	v11 =	vperm.xlane v10, v3  }
0x11f: {  	v12 =	vsel vm0, $0x0, v59  }
0x120: {  	v9 =	vadd.s32 v12, v9;
	v11 =	vsel vm0, $0x0, v11  }
0x121: {  	v12 =	vperm.xlane v9, v4;
	v10 =	vadd.s32 v11, v10  }
0x122: {  	v11 =	vperm.xlane v10, v4  }
0x123: {  	v12 =	vsel vm1, $0x0, v12  }
0x124: {  	v9 =	vadd.s32 v12, v9;
	v11 =	vsel vm1, $0x0, v11  }
0x125: {  	v12 =	vperm.xlane v9, v6;
	v10 =	vadd.s32 v11, v10  }
0x126: {  	v11 =	vperm.xlane v10, v6  }
0x127: {  	v12 =	vsel vm2, $0x0, v12  }
0x128: {  	v9 =	vadd.s32 v12, v9;
	v11 =	vsel vm2, $0x0, v11  }
0x129: {  	v60 =	vsel vm4, $0xFFFFFFFF, v0;
	v10 =	vadd.s32 v11, v10;
	(v2sf) =	vpush v9, $0xF  }
0x12a: {  	v11 =	vadd.s32 s6, v60;
	(v2sf) =	vpush v10, $0xF  }
0x12b: {  	v9 =	vadd.s32 v9, v11  }
0x12c: {  	s5 =	sadd.s32 s5, s9;
	v62 =	vld [tilespmem:s7+$0x0];
	v61 =	vsel vm3, $0xFFFFFFFF, v0;
	v9 =	vnsel vm4, $0x3100, v9  }
0x12d: {  	v11 =	vadd.s32 s5, v61  }
0x12e: {  	v63 =	vld [tilespmem:s7+$0x61C0];
	v10 =	vadd.s32 v10, v11  }
0x12f: {  	v10 =	vnsel vm3, $0x3100, v10;
	_ =	sdelay $0x1  }
0x130: {  	[tilespmem:v9+s30+$0x0] =	vst.idx.msk $0xffff, v62  }
0x131: {  	[tilespmem:v9+s31+$0x0] =	vst.idx.msk $0xffff, v7  }
0x132: {  	[tilespmem:v9+s22+$0x0] =	vst.idx.msk $0xffff, v63  }
0x133: {  	[tilespmem:v10+s0+$0x0] =	vst.idx.msk $0xffff, v62  }
0x134: {  	[tilespmem:v10+s1+$0x0] =	vst.idx.msk $0xffff, v8  }
0x135: {  	[tilespmem:v10+s2+$0x0] =	vst.idx.msk $0xffff, v63  }
0x136: {  	[hbm4b:s13+s19] =	stream.linear.scatter [tilespmem:s30], [sflag:$0x1], $0x3100, $0x38;
	[tilespmem:$0x1B910] =	vst v63  }
0x137: {  	s9 =	spop (v2sf)  }
0x138: {  	s8 =	spop (v2sf)  }
0x139: {  	_ =	swait.ge [sflag:s26], $0x3100  }
0x13a: {  	[sflag:s26] =	ssyncset.done $0x0  }
0x13b: {  	[sflag:s26] =	ssyncadd.s32 $0xFFFFCF00  }
0x13c: {  	[hbm4b:s14+s19] =	stream.linear.scatter [tilespmem:s31], [sflag:$0x1], $0x3100, $0x38;
	[tilespmem:$0x1B910] =	vst v63  }
0x13d: {  	_ =	swait.ge [sflag:s26], $0x3100  }
0x13e: {  	[sflag:s26] =	ssyncset.done $0x0  }
0x13f: {  	[sflag:s26] =	ssyncadd.s32 $0xFFFFCF00  }
0x140: {  	[hbm4b:s15+s19] =	stream.linear.scatter [tilespmem:s22], [sflag:$0x1], $0x3100, $0x38;
	[tilespmem:$0x1B910] =	vst v63  }
0x141: {  	_ =	swait.ge [sflag:s26], $0x3100  }
0x142: {  	s10 =	sadd.s32 s6, s9;
	[sflag:s26] =	ssyncset.done $0x0  }
0x143: {  	v7 =	vmov s10;
	[sflag:s26] =	ssyncadd.s32 $0xFFFFCF00  }
0x144: {  	[tilespmem:$0x1B900] =	vst v7  }
0x145: {  	[hbm4b:s23+s19] =	stream.linear.scatter [tilespmem:s3], [sflag:$0x1], $0x10, $0x38;
	[tilespmem:$0x1B910] =	vst v63  }
0x146: {  	_ =	swait.ge [sflag:s26], $0x10  }
0x147: {  	[sflag:s26] =	ssyncset.done $0x0  }
0x148: {  	[sflag:s26] =	ssyncadd.s32 $0xFFFFFFF0  }
0x149: {  	[hbm4b:s16+s19] =	stream.linear.scatter [tilespmem:s0], [sflag:$0x1], $0x3100, $0x38;
	[tilespmem:$0x1B910] =	vst v63  }
0x14a: {  	_ =	swait.ge [sflag:s26], $0x3100  }
0x14b: {  	[sflag:s26] =	ssyncset.done $0x0  }
0x14c: {  	[sflag:s26] =	ssyncadd.s32 $0xFFFFCF00  }
0x14d: {  	[hbm4b:s17+s19] =	stream.linear.scatter [tilespmem:s1], [sflag:$0x1], $0x3100, $0x38;
	[tilespmem:$0x1B910] =	vst v63  }
0x14e: {  	_ =	swait.ge [sflag:s26], $0x3100  }
0x14f: {  	[sflag:s26] =	ssyncset.done $0x0  }
0x150: {  	[sflag:s26] =	ssyncadd.s32 $0xFFFFCF00  }
0x151: {  	[hbm4b:s18+s19] =	stream.linear.scatter [tilespmem:s2], [sflag:$0x1], $0x3100, $0x38;
	[tilespmem:$0x1B910] =	vst v63  }
0x152: {  	_ =	swait.ge [sflag:s26], $0x3100  }
0x153: {  	s4 =	sadd.s32 $0x1, s4;
	s5 =	sadd.s32 s5, s8;
	[sflag:s26] =	ssyncset.done $0x0  }
0x154: {  	p0 =	sne.s32 s4, s25;
	v7 =	vmov s5;
	[sflag:s26] =	ssyncadd.s32 $0xFFFFCF00  }
.Ltmp4:
0x155: {  	[tilespmem:$0x1B900] =	vst v7;
	(pc) =	sbr.rel @p0 .LBB2_1-.Ltmp4, $4  }
0x156: {  	[hbm4b:s24+s19] =	stream.linear.scatter [tilespmem:s3], [sflag:$0x1], $0x10, $0x38;
	[tilespmem:$0x1B910] =	vst v63  }
0x157: {  	_ =	swait.ge [sflag:s26], $0x10  }
0x158: {  	[sflag:s26] =	ssyncset.done $0x0  }
0x159: {  	[sflag:s26] =	ssyncadd.s32 $0xFFFFFFF0  }
0x15a: {  	_ =	sfence.sel $0x180000  }
0x15b: {  	[bflag:$0x0] =	sbarrier.arrive $0xFFFF  }
0x15c: {  	_ =	strace $0x90000047  }
0x15d: {  	s0 =	stileid.u32;
	[bflag:$0x2] =	sbarrier.arrive $0xFFFF  }
0x15e: {  	p0 =	sne.s32 s0, $0x0;
	s0 =	rddreg [dreg:$0x7]  }
0x15f: {  	s0 =	sadd.s32 @!p0 $0x100000, s0  }
0x160: {  	[sflag:s0] =	ssyncadd.tile.s32 @!p0 $0x1;
	_ =	shalt  }
.Lfunc_end2:
_tile_overlayer_lowered:
.L_overlay_start_2:
0x161: {  	(tag) =	ssettag $0x2  }
0x162: {  	s0 =	rddreg [dreg:$0x0];
	s2 =	stileid.u32  }
0x163: {  	s1 =	rddreg [dreg:$0x1];
	p0 =	sne.s32 s2, $0x0  }
0x164: {  	s3 =	rddreg [dreg:$0x2];
	[bflag:$0x3] =	sbarrier.arrive $0xFFFF;
	s2 =	simm.s32 @!p0 $0x1C01  }
0x165: {  	[timem:s3], [sflag:s2] =	dma.local @!p0 [hbm:s0], s1  }
0x166: {  	s0 =	simm.s32 @!p0 $0x1  }
0x167: {  	_ =	swait.ge @!p0 [sflag:s0], s1  }
0x168: {  	s1 =	ssub.s32 @!p0 $0x0, s1;
	[sflag:s0] =	ssyncset.done @!p0 $0x0  }
0x169: {  	[sflag:s0] =	ssyncadd.s32 @!p0 s1  }
0x16a: {  	[bflag:$0x3] =	sbarrier.arrive $0xFFFF  }
0x16b: {  	_ =	shalt  }

</sc_bundles>
